<compile_context>
chip_gen: v7x
topology: tpu7x:2x2x1
jax: 0.10.2.dev20260603
libtpu: 0.0.44.dev20260713+nightly
codegen_flags: <defaults>
</compile_context>

<pallas_src>
import functools

import jax
import jax.numpy as jnp
from jax import lax
from jax.experimental import pallas as pl
from jax.experimental.pallas import tpu as pltpu
from jax.experimental.pallas import tpu_sc as plsc

N_NODES = 10000
N_EDGES = 320000
D = 128

NUM_CORES = 2
NUM_SUBCORES = 16
NW = NUM_CORES * NUM_SUBCORES
CHUNK = 128
ROWS_C0 = 79
ROWS_C1 = 79
TOTAL_CHUNKS = NUM_SUBCORES * (ROWS_C0 + ROWS_C1)
E_PAD = TOTAL_CHUNKS * CHUNK
ACC_ROWS = 10240
ZERO_ROWS = ACC_ROWS // NUM_SUBCORES


def _sc_segment_sum(feature, ei, pads, zeros):
    mesh = plsc.VectorSubcoreMesh(core_axis_name="c", subcore_axis_name="s")

    @functools.partial(
        pl.kernel,
        out_type=jax.ShapeDtypeStruct((NUM_CORES, ACC_ROWS, D), jnp.float32),
        mesh=mesh,
        scratch_types=[
            pltpu.VMEM((2, CHUNK), jnp.int32),
            pltpu.VMEM((2, CHUNK), jnp.int32),
            pltpu.VMEM((CHUNK, D), jnp.float32),
            pltpu.VMEM((CHUNK, D), jnp.float32),
            pltpu.VMEM_SHARED((ACC_ROWS, D), jnp.float32),
            pltpu.SemaphoreType.DMA,
            pltpu.SemaphoreType.DMA,
            pltpu.SemaphoreType.DMA,
        ],
    )
    def k(feature_hbm, ei_hbm, pads_hbm, zeros_hbm, out_hbm,
          ibuf0, ibuf1, buf0, buf1, acc, isem, gsem, ssem):
        c = lax.axis_index("c")
        s = lax.axis_index("s")
        n = jnp.where(c == 0, ROWS_C0, ROWS_C1)
        off = jnp.where(c == 0, s * ROWS_C0,
                        NUM_SUBCORES * ROWS_C0 + s * ROWS_C1)
        pltpu.sync_copy(zeros_hbm, acc.at[pl.ds(s * ZERO_ROWS, ZERO_ROWS)])
        plsc.subcore_barrier()

        def fetch_idx(j, ibuf):
            e = (off + j) * CHUNK

            @pl.when(e < N_EDGES)
            def _():
                pltpu.async_copy(ei_hbm.at[0, pl.ds(e, CHUNK)],
                                 ibuf.at[0], isem)
                pltpu.async_copy(ei_hbm.at[1, pl.ds(e, CHUNK)],
                                 ibuf.at[1], isem)

            @pl.when(e >= N_EDGES)
            def _():
                ep = e - N_EDGES
                pltpu.async_copy(pads_hbm.at[0, pl.ds(ep, CHUNK)],
                                 ibuf.at[0], isem)
                pltpu.async_copy(pads_hbm.at[1, pl.ds(ep, CHUNK)],
                                 ibuf.at[1], isem)

        def wait_idx(ibuf):
            pltpu.make_async_copy(ei_hbm.at[0, pl.ds(0, CHUNK)],
                                  ibuf.at[0], isem).wait()
            pltpu.make_async_copy(ei_hbm.at[1, pl.ds(0, CHUNK)],
                                  ibuf.at[1], isem).wait()

        def gather(ibuf, buf):
            pltpu.async_copy(feature_hbm.at[ibuf.at[0]], buf, gsem).wait()

        def scatter(ibuf, buf):
            pltpu.async_copy(buf, acc.at[ibuf.at[1]], ssem, add=True)

        def wait_scatter(ibuf, buf):
            pltpu.make_async_copy(buf, acc.at[ibuf.at[1]], ssem).wait()

        fetch_idx(0, ibuf0)

        def body(i, carry):
            j = 2 * i
            wait_idx(ibuf0)
            gather(ibuf0, buf0)
            scatter(ibuf0, buf0)

            @pl.when(i > 0)
            def _():
                wait_scatter(ibuf1, buf1)

            fetch_idx(j + 1, ibuf1)
            wait_idx(ibuf1)
            gather(ibuf1, buf1)
            scatter(ibuf1, buf1)
            wait_scatter(ibuf0, buf0)
            fetch_idx(jnp.minimum(j + 2, n - 1), ibuf0)
            return carry

        lax.fori_loop(0, (n - 1) // 2, body, 0)
        wait_idx(ibuf0)
        gather(ibuf0, buf0)
        scatter(ibuf0, buf0)
        wait_scatter(ibuf1, buf1)
        wait_scatter(ibuf0, buf0)
        plsc.subcore_barrier()
        pltpu.sync_copy(acc.at[pl.ds(s * ZERO_ROWS, ZERO_ROWS)],
                        out_hbm.at[c, pl.ds(s * ZERO_ROWS, ZERO_ROWS)])

    return k(feature, ei, pads, zeros)


def _tc_linear(partials, W, b):
    blk = 1000
    grid = N_NODES // blk

    def body(p_ref, w_ref, b_ref, o_ref):
        x = p_ref[0] + p_ref[1]
        y = lax.dot_general(x, w_ref[...], (((1,), (1,)), ((), ())),
                            preferred_element_type=jnp.float32,
                            precision=lax.Precision.HIGHEST)
        o_ref[...] = y + b_ref[...]

    return pl.pallas_call(
        body,
        grid=(grid,),
        in_specs=[
            pl.BlockSpec((NUM_CORES, blk, D), lambda i: (0, i, 0)),
            pl.BlockSpec((D, D), lambda i: (0, 0)),
            pl.BlockSpec((1, D), lambda i: (0, 0)),
        ],
        out_specs=pl.BlockSpec((blk, D), lambda i: (i, 0)),
        out_shape=jax.ShapeDtypeStruct((N_NODES, D), jnp.float32),
    )(partials, W, b.reshape(1, D))


def kernel(feature, edge_index, W, b):
    ei = edge_index.astype(jnp.int32)
    pad = E_PAD - N_EDGES
    pad_src = jnp.arange(pad, dtype=jnp.int32) % N_NODES
    pad_dst = (N_NODES
               + jnp.arange(pad, dtype=jnp.int32) % (ACC_ROWS - N_NODES))
    pads = jnp.stack([pad_src, pad_dst])
    zeros = jnp.zeros((ZERO_ROWS, D), jnp.float32)
    partials = _sc_segment_sum(feature, ei, pads, zeros)
    return _tc_linear(partials, W, b)

# --- scband reference (transcript-rebuilt; emitter-appended) ---
"""Pipeline reference for scband-gcnlayer-42975442764291 (READ-ONLY COPY).

The authoritative reference and input builder live on the scoring server;
editing this copy changes nothing except your own understanding.
"""

import jax, jax.numpy as jnp
import numpy as np

N_NODES = 10000
N_EDGES = 320000
D_IN = 128
D_OUT = 128

def setup_inputs(seed: int = 0) -> dict:
    key = jax.random.key(seed)
    k1, k2, k3, k4 = jax.random.split(key, 4)
    feature = jax.random.normal(k1, (N_NODES, D_IN), dtype=jnp.float32)
    edge_index = jax.random.randint(k2, (2, N_EDGES), 0, N_NODES, dtype=jnp.int64)
    # Linear layer params (torch default init: U(-1/sqrt(fan_in), 1/sqrt(fan_in)))
    bound = 1.0 / np.sqrt(D_IN)
    W = jax.random.uniform(k3, (D_OUT, D_IN), minval=-bound, maxval=bound, dtype=jnp.float32)
    b = jax.random.uniform(k4, (D_OUT,), minval=-bound, maxval=bound, dtype=jnp.float32)
    return {"feature": feature, "edge_index": edge_index, "W": W, "b": b}

def reference(feature, edge_index, W, b):
    # DGL update_all(copy_u('h','m'), sum('m','h')):
    # each edge copies source node feature, destination sums incoming messages.
    src = edge_index[0]
    dst = edge_index[1]
    msgs = jnp.take(feature, src, axis=0)           # gather: copy_u
    h = jax.ops.segment_sum(msgs, dst, num_segments=N_NODES)  # scatter-add: sum reduce
    # nn.Linear
    return h @ W.T + b

if __name__ == "__main__":
    import jax
    _d = setup_inputs()
    print(jax.jit(kernel)(*tuple(_d.values())))

</pallas_src>

<mosaic_0001>
#map = affine_map<(d0, d1) -> (0, 0)>
#map1 = affine_map<(d0, d1) -> (0, 0, 0)>
module attributes {stable_mosaic.version = 14 : i64} {
  func.func @k(%arg0: i32, %arg1: i32, %arg2: memref<10000x128xf32, #tpu.memory_space<hbm>>, %arg3: memref<2x320000xi32, #tpu.memory_space<hbm>>, %arg4: memref<2x3584xi32, #tpu.memory_space<hbm>>, %arg5: memref<640x128xf32, #tpu.memory_space<hbm>>, %arg6: memref<2x10240x128xf32, #tpu.memory_space<hbm>>, %arg7: memref<2x128xi32, #tpu.memory_space<vmem>>, %arg8: memref<2x128xi32, #tpu.memory_space<vmem>>, %arg9: memref<128x128xf32, #tpu.memory_space<vmem>>, %arg10: memref<128x128xf32, #tpu.memory_space<vmem>>, %arg11: memref<10240x128xf32, #tpu.memory_space<vmem_shared>>, %arg12: memref<!tpu.dma_semaphore, #tpu.memory_space<semaphore_mem>>, %arg13: memref<!tpu.dma_semaphore, #tpu.memory_space<semaphore_mem>>, %arg14: memref<!tpu.dma_semaphore, #tpu.memory_space<semaphore_mem>>) attributes {dimension_semantics = [#tpu.dimension_semantics<core_parallel>, #tpu.dimension_semantics<subcore_parallel>], iteration_bounds = array<i64: 2, 16>, scalar_prefetch = 0 : i64, scratch_operands = 8 : i64, tpu.core_type = #tpu.core_type<sc_vector_subcore>, window_params = [{transform_indices = #map}, {transform_indices = #map}, {transform_indices = #map}, {transform_indices = #map}, {transform_indices = #map1}]} {
    %eq3A = arith.constant 0 : i32
    %eq3A_0 = arith.cmpi eq, %arg0, %eq3A : i32
    %jit3A = arith.constant 79 : i32
    %jit3A_1 = arith.constant 79 : i32
    %select_n3A = arith.select %eq3A_0, %jit3A, %jit3A_1 : i32
    %eq3A_2 = arith.constant 0 : i32
    %eq3A_3 = arith.cmpi eq, %arg0, %eq3A_2 : i32
    %mul3A = arith.constant 79 : i32
    %mul3A_4 = arith.muli %arg1, %mul3A : i32
    %mul3A_5 = arith.constant 79 : i32
    %mul3A_6 = arith.muli %arg1, %mul3A_5 : i32
    %add3A = arith.constant 1264 : i32
    %add3A_7 = arith.addi %add3A, %mul3A_6 : i32
    %select_n3A_8 = arith.select %eq3A_3, %mul3A_4, %add3A_7 : i32
    %mul3A_9 = arith.constant 640 : i32
    %mul3A_10 = arith.muli %arg1, %mul3A_9 : i32
    "tpu.region"() ({
      %run_scoped3A = tpu.sem_alloc : memref<!tpu.dma_semaphore, #tpu.memory_space<semaphore_mem>>
      %dma_start3A_116 = arith.constant 0 : i32
      %dma_start3A_117 = tpu.memref_slice %arg11[%mul3A_10, %dma_start3A_116] : memref<10240x128xf32, #tpu.memory_space<vmem_shared>> -> memref<640x128xf32, #tpu.memory_space<vmem_shared>>
      tpu.enqueue_dma source(%arg5 : memref<640x128xf32, #tpu.memory_space<hbm>>) target(%dma_start3A_117 : memref<640x128xf32, #tpu.memory_space<vmem_shared>>) target_semaphore(%run_scoped3A : memref<!tpu.dma_semaphore, #tpu.memory_space<semaphore_mem>>)
      %dma_wait3A_118 = arith.constant 0 : i32
      %dma_wait3A_119 = tpu.memref_slice %arg11[%mul3A_10, %dma_wait3A_118] : memref<10240x128xf32, #tpu.memory_space<vmem_shared>> -> memref<640x128xf32, #tpu.memory_space<vmem_shared>>
      tpu.wait_dma2 semaphore(%run_scoped3A : memref<!tpu.dma_semaphore, #tpu.memory_space<semaphore_mem>>) src(%arg5 : memref<640x128xf32, #tpu.memory_space<hbm>>) dst(%dma_wait3A_119 : memref<640x128xf32, #tpu.memory_space<vmem_shared>>)
      tpu.yield
    }) : () -> ()
    %barrier3A = arith.constant 0 : index
    tpu.barrier barrier_id(%barrier3A)
    %add3A_11 = arith.constant 0 : i32
    %add3A_12 = arith.addi %select_n3A_8, %add3A_11 : i32
    %mul3A_13 = arith.constant 128 : i32
    %mul3A_14 = arith.muli %add3A_12, %mul3A_13 : i32
    %lt3A = arith.constant 320000 : i32
    %lt3A_15 = arith.cmpi slt, %mul3A_14, %lt3A : i32
    %convert_element_type3A = arith.extui %lt3A_15 : i1 to i32
    %cond3A = arith.constant 0 : i32
    %cond3A_16 = arith.cmpi ne, %convert_element_type3A, %cond3A : i32
    scf.if %cond3A_16 {
      %dma_start3A_116 = arith.constant 0 : i32
      %dma_start3A_117 = arith.constant 0 : i32
      %dma_start3A_118 = arith.constant 0 : i32
      %dma_start3A_119 = tpu.memref_slice %arg7[%dma_start3A_117, %dma_start3A_118] : memref<2x128xi32, #tpu.memory_space<vmem>> -> memref<1x128xi32, #tpu.memory_space<vmem>>
      %dma_start3A_120 = tpu.memref_squeeze %dma_start3A_119 : memref<1x128xi32, #tpu.memory_space<vmem>> -> memref<128xi32, #tpu.memory_space<vmem>>
      %dma_start3A_121 = tpu.memref_slice %arg3[%dma_start3A_116, %mul3A_14] : memref<2x320000xi32, #tpu.memory_space<hbm>> -> memref<1x128xi32, #tpu.memory_space<hbm>>
      %dma_start3A_122 = tpu.memref_squeeze %dma_start3A_121 : memref<1x128xi32, #tpu.memory_space<hbm>> -> memref<128xi32, #tpu.memory_space<hbm>>
      %dma_start3A_123 = arith.constant 0 : i32
      %dma_start3A_124 = tpu.memref_slice %arg7[%dma_start3A_117, %dma_start3A_123] : memref<2x128xi32, #tpu.memory_space<vmem>> -> memref<1x128xi32, #tpu.memory_space<vmem>>
      %dma_start3A_125 = tpu.memref_squeeze %dma_start3A_124 : memref<1x128xi32, #tpu.memory_space<vmem>> -> memref<128xi32, #tpu.memory_space<vmem>>
      %dma_start3A_126 = tpu.memref_slice %arg3[%dma_start3A_116, %mul3A_14] : memref<2x320000xi32, #tpu.memory_space<hbm>> -> memref<1x128xi32, #tpu.memory_space<hbm>>
      %dma_start3A_127 = tpu.memref_squeeze %dma_start3A_126 : memref<1x128xi32, #tpu.memory_space<hbm>> -> memref<128xi32, #tpu.memory_space<hbm>>
      tpu.enqueue_dma source(%dma_start3A_127 : memref<128xi32, #tpu.memory_space<hbm>>) target(%dma_start3A_125 : memref<128xi32, #tpu.memory_space<vmem>>) target_semaphore(%arg12 : memref<!tpu.dma_semaphore, #tpu.memory_space<semaphore_mem>>)
      %dma_start3A_128 = arith.constant 1 : i32
      %dma_start3A_129 = arith.constant 1 : i32
      %dma_start3A_130 = arith.constant 0 : i32
      %dma_start3A_131 = tpu.memref_slice %arg7[%dma_start3A_129, %dma_start3A_130] : memref<2x128xi32, #tpu.memory_space<vmem>> -> memref<1x128xi32, #tpu.memory_space<vmem>>
      %dma_start3A_132 = tpu.memref_squeeze %dma_start3A_131 : memref<1x128xi32, #tpu.memory_space<vmem>> -> memref<128xi32, #tpu.memory_space<vmem>>
      %dma_start3A_133 = tpu.memref_slice %arg3[%dma_start3A_128, %mul3A_14] : memref<2x320000xi32, #tpu.memory_space<hbm>> -> memref<1x128xi32, #tpu.memory_space<hbm>>
      %dma_start3A_134 = tpu.memref_squeeze %dma_start3A_133 : memref<1x128xi32, #tpu.memory_space<hbm>> -> memref<128xi32, #tpu.memory_space<hbm>>
      %dma_start3A_135 = arith.constant 0 : i32
      %dma_start3A_136 = tpu.memref_slice %arg7[%dma_start3A_129, %dma_start3A_135] : memref<2x128xi32, #tpu.memory_space<vmem>> -> memref<1x128xi32, #tpu.memory_space<vmem>>
      %dma_start3A_137 = tpu.memref_squeeze %dma_start3A_136 : memref<1x128xi32, #tpu.memory_space<vmem>> -> memref<128xi32, #tpu.memory_space<vmem>>
      %dma_start3A_138 = tpu.memref_slice %arg3[%dma_start3A_128, %mul3A_14] : memref<2x320000xi32, #tpu.memory_space<hbm>> -> memref<1x128xi32, #tpu.memory_space<hbm>>
      %dma_start3A_139 = tpu.memref_squeeze %dma_start3A_138 : memref<1x128xi32, #tpu.memory_space<hbm>> -> memref<128xi32, #tpu.memory_space<hbm>>
      tpu.enqueue_dma source(%dma_start3A_139 : memref<128xi32, #tpu.memory_space<hbm>>) target(%dma_start3A_137 : memref<128xi32, #tpu.memory_space<vmem>>) target_semaphore(%arg12 : memref<!tpu.dma_semaphore, #tpu.memory_space<semaphore_mem>>)
    } else {
    }
    %ge3A = arith.constant 320000 : i32
    %ge3A_17 = arith.cmpi sge, %mul3A_14, %ge3A : i32
    %convert_element_type3A_18 = arith.extui %ge3A_17 : i1 to i32
    %cond3A_19 = arith.constant 0 : i32
    %cond3A_20 = arith.cmpi ne, %convert_element_type3A_18, %cond3A_19 : i32
    scf.if %cond3A_20 {
      %sub3A_116 = arith.constant 320000 : i32
      %sub3A_117 = arith.subi %mul3A_14, %sub3A_116 : i32
      %dma_start3A_118 = arith.constant 0 : i32
      %dma_start3A_119 = arith.constant 0 : i32
      %dma_start3A_120 = arith.constant 0 : i32
      %dma_start3A_121 = tpu.memref_slice %arg7[%dma_start3A_119, %dma_start3A_120] : memref<2x128xi32, #tpu.memory_space<vmem>> -> memref<1x128xi32, #tpu.memory_space<vmem>>
      %dma_start3A_122 = tpu.memref_squeeze %dma_start3A_121 : memref<1x128xi32, #tpu.memory_space<vmem>> -> memref<128xi32, #tpu.memory_space<vmem>>
      %dma_start3A_123 = tpu.memref_slice %arg4[%dma_start3A_118, %sub3A_117] : memref<2x3584xi32, #tpu.memory_space<hbm>> -> memref<1x128xi32, #tpu.memory_space<hbm>>
      %dma_start3A_124 = tpu.memref_squeeze %dma_start3A_123 : memref<1x128xi32, #tpu.memory_space<hbm>> -> memref<128xi32, #tpu.memory_space<hbm>>
      %dma_start3A_125 = arith.constant 0 : i32
      %dma_start3A_126 = tpu.memref_slice %arg7[%dma_start3A_119, %dma_start3A_125] : memref<2x128xi32, #tpu.memory_space<vmem>> -> memref<1x128xi32, #tpu.memory_space<vmem>>
      %dma_start3A_127 = tpu.memref_squeeze %dma_start3A_126 : memref<1x128xi32, #tpu.memory_space<vmem>> -> memref<128xi32, #tpu.memory_space<vmem>>
      %dma_start3A_128 = tpu.memref_slice %arg4[%dma_start3A_118, %sub3A_117] : memref<2x3584xi32, #tpu.memory_space<hbm>> -> memref<1x128xi32, #tpu.memory_space<hbm>>
      %dma_start3A_129 = tpu.memref_squeeze %dma_start3A_128 : memref<1x128xi32, #tpu.memory_space<hbm>> -> memref<128xi32, #tpu.memory_space<hbm>>
      tpu.enqueue_dma source(%dma_start3A_129 : memref<128xi32, #tpu.memory_space<hbm>>) target(%dma_start3A_127 : memref<128xi32, #tpu.memory_space<vmem>>) target_semaphore(%arg12 : memref<!tpu.dma_semaphore, #tpu.memory_space<semaphore_mem>>)
      %dma_start3A_130 = arith.constant 1 : i32
      %dma_start3A_131 = arith.constant 1 : i32
      %dma_start3A_132 = arith.constant 0 : i32
      %dma_start3A_133 = tpu.memref_slice %arg7[%dma_start3A_131, %dma_start3A_132] : memref<2x128xi32, #tpu.memory_space<vmem>> -> memref<1x128xi32, #tpu.memory_space<vmem>>
      %dma_start3A_134 = tpu.memref_squeeze %dma_start3A_133 : memref<1x128xi32, #tpu.memory_space<vmem>> -> memref<128xi32, #tpu.memory_space<vmem>>
      %dma_start3A_135 = tpu.memref_slice %arg4[%dma_start3A_130, %sub3A_117] : memref<2x3584xi32, #tpu.memory_space<hbm>> -> memref<1x128xi32, #tpu.memory_space<hbm>>
      %dma_start3A_136 = tpu.memref_squeeze %dma_start3A_135 : memref<1x128xi32, #tpu.memory_space<hbm>> -> memref<128xi32, #tpu.memory_space<hbm>>
      %dma_start3A_137 = arith.constant 0 : i32
      %dma_start3A_138 = tpu.memref_slice %arg7[%dma_start3A_131, %dma_start3A_137] : memref<2x128xi32, #tpu.memory_space<vmem>> -> memref<1x128xi32, #tpu.memory_space<vmem>>
      %dma_start3A_139 = tpu.memref_squeeze %dma_start3A_138 : memref<1x128xi32, #tpu.memory_space<vmem>> -> memref<128xi32, #tpu.memory_space<vmem>>
      %dma_start3A_140 = tpu.memref_slice %arg4[%dma_start3A_130, %sub3A_117] : memref<2x3584xi32, #tpu.memory_space<hbm>> -> memref<1x128xi32, #tpu.memory_space<hbm>>
      %dma_start3A_141 = tpu.memref_squeeze %dma_start3A_140 : memref<1x128xi32, #tpu.memory_space<hbm>> -> memref<128xi32, #tpu.memory_space<hbm>>
      tpu.enqueue_dma source(%dma_start3A_141 : memref<128xi32, #tpu.memory_space<hbm>>) target(%dma_start3A_139 : memref<128xi32, #tpu.memory_space<vmem>>) target_semaphore(%arg12 : memref<!tpu.dma_semaphore, #tpu.memory_space<semaphore_mem>>)
    } else {
    }
    %sub3A = arith.constant 1 : i32
    %sub3A_21 = arith.subi %select_n3A, %sub3A : i32
    %jit3A_22 = arith.constant 2 : i32
    %div3A = arith.divsi %sub3A_21, %jit3A_22 : i32
    %sign3A = arith.constant 0 : i32
    %sign3A_23 = arith.cmpi sgt, %sub3A_21, %sign3A : i32
    %sign3A_24 = arith.extui %sign3A_23 : i1 to i32
    %sign3A_25 = arith.constant 0 : i32
    %sign3A_26 = arith.cmpi slt, %sub3A_21, %sign3A_25 : i32
    %sign3A_27 = arith.extui %sign3A_26 : i1 to i32
    %sign3A_28 = arith.subi %sign3A_24, %sign3A_27 : i32
    %sign3A_29 = arith.constant 0 : i32
    %sign3A_30 = arith.cmpi sgt, %jit3A_22, %sign3A_29 : i32
    %sign3A_31 = arith.extui %sign3A_30 : i1 to i32
    %sign3A_32 = arith.constant 0 : i32
    %sign3A_33 = arith.cmpi slt, %jit3A_22, %sign3A_32 : i32
    %sign3A_34 = arith.extui %sign3A_33 : i1 to i32
    %sign3A_35 = arith.subi %sign3A_31, %sign3A_34 : i32
    %ne3A = arith.cmpi ne, %sign3A_28, %sign3A_35 : i32
    %rem3A = arith.remsi %sub3A_21, %jit3A_22 : i32
    %ne3A_36 = arith.constant 0 : i32
    %ne3A_37 = arith.cmpi ne, %rem3A, %ne3A_36 : i32
    %and3A = arith.andi %ne3A, %ne3A_37 : i1
    %sub3A_38 = arith.constant 1 : i32
    %sub3A_39 = arith.subi %div3A, %sub3A_38 : i32
    %select_n3A_40 = arith.select %and3A, %sub3A_39, %div3A : i32
    %while3A = arith.constant 0 : i32
    %while3A_41 = arith.constant 0 : i32
    %while3A_42 = arith.subi %select_n3A_40, %while3A_41 : i32
    %while3A_43 = arith.addi %while3A_41, %while3A_42 : i32
    %while3A_44 = arith.constant 1 : i32
    %while3A_45 = arith.divsi %while3A_42, %while3A_44 : i32
    %while3A_46 = arith.muli %while3A_45, %while3A_44 : i32
    %while3A_47 = arith.addi %while3A_41, %while3A_46 : i32
    %while3A_48 = arith.constant 1 : i32
    scf.for %while3A_116 = %while3A_41 to %while3A_47 step %while3A_48  : i32 {
      %mul3A_117 = arith.constant 2 : i32
      %mul3A_118 = arith.muli %mul3A_117, %while3A_116 : i32
      %dma_wait3A_119 = arith.constant 0 : i32
      %dma_wait3A_120 = arith.constant 0 : i32
      %dma_wait3A_121 = arith.constant 0 : i32
      %dma_wait3A_122 = tpu.memref_slice %arg7[%dma_wait3A_120, %dma_wait3A_121] : memref<2x128xi32, #tpu.memory_space<vmem>> -> memref<1x128xi32, #tpu.memory_space<vmem>>
      %dma_wait3A_123 = tpu.memref_squeeze %dma_wait3A_122 : memref<1x128xi32, #tpu.memory_space<vmem>> -> memref<128xi32, #tpu.memory_space<vmem>>
      %dma_wait3A_124 = arith.constant 0 : i32
      %dma_wait3A_125 = tpu.memref_slice %arg3[%dma_wait3A_119, %dma_wait3A_124] : memref<2x320000xi32, #tpu.memory_space<hbm>> -> memref<1x128xi32, #tpu.memory_space<hbm>>
      %dma_wait3A_126 = tpu.memref_squeeze %dma_wait3A_125 : memref<1x128xi32, #tpu.memory_space<hbm>> -> memref<128xi32, #tpu.memory_space<hbm>>
      %dma_wait3A_127 = arith.constant 0 : i32
      %dma_wait3A_128 = tpu.memref_slice %arg7[%dma_wait3A_120, %dma_wait3A_127] : memref<2x128xi32, #tpu.memory_space<vmem>> -> memref<1x128xi32, #tpu.memory_space<vmem>>
      %dma_wait3A_129 = tpu.memref_squeeze %dma_wait3A_128 : memref<1x128xi32, #tpu.memory_space<vmem>> -> memref<128xi32, #tpu.memory_space<vmem>>
      %dma_wait3A_130 = arith.constant 0 : i32
      %dma_wait3A_131 = tpu.memref_slice %arg3[%dma_wait3A_119, %dma_wait3A_130] : memref<2x320000xi32, #tpu.memory_space<hbm>> -> memref<1x128xi32, #tpu.memory_space<hbm>>
      %dma_wait3A_132 = tpu.memref_squeeze %dma_wait3A_131 : memref<1x128xi32, #tpu.memory_space<hbm>> -> memref<128xi32, #tpu.memory_space<hbm>>
      tpu.wait_dma2 semaphore(%arg12 : memref<!tpu.dma_semaphore, #tpu.memory_space<semaphore_mem>>) src(%dma_wait3A_132 : memref<128xi32, #tpu.memory_space<hbm>>) dst(%dma_wait3A_129 : memref<128xi32, #tpu.memory_space<vmem>>)
      %dma_wait3A_133 = arith.constant 1 : i32
      %dma_wait3A_134 = arith.constant 1 : i32
      %dma_wait3A_135 = arith.constant 0 : i32
      %dma_wait3A_136 = tpu.memref_slice %arg7[%dma_wait3A_134, %dma_wait3A_135] : memref<2x128xi32, #tpu.memory_space<vmem>> -> memref<1x128xi32, #tpu.memory_space<vmem>>
      %dma_wait3A_137 = tpu.memref_squeeze %dma_wait3A_136 : memref<1x128xi32, #tpu.memory_space<vmem>> -> memref<128xi32, #tpu.memory_space<vmem>>
      %dma_wait3A_138 = arith.constant 0 : i32
      %dma_wait3A_139 = tpu.memref_slice %arg3[%dma_wait3A_133, %dma_wait3A_138] : memref<2x320000xi32, #tpu.memory_space<hbm>> -> memref<1x128xi32, #tpu.memory_space<hbm>>
      %dma_wait3A_140 = tpu.memref_squeeze %dma_wait3A_139 : memref<1x128xi32, #tpu.memory_space<hbm>> -> memref<128xi32, #tpu.memory_space<hbm>>
      %dma_wait3A_141 = arith.constant 0 : i32
      %dma_wait3A_142 = tpu.memref_slice %arg7[%dma_wait3A_134, %dma_wait3A_141] : memref<2x128xi32, #tpu.memory_space<vmem>> -> memref<1x128xi32, #tpu.memory_space<vmem>>
      %dma_wait3A_143 = tpu.memref_squeeze %dma_wait3A_142 : memref<1x128xi32, #tpu.memory_space<vmem>> -> memref<128xi32, #tpu.memory_space<vmem>>
      %dma_wait3A_144 = arith.constant 0 : i32
      %dma_wait3A_145 = tpu.memref_slice %arg3[%dma_wait3A_133, %dma_wait3A_144] : memref<2x320000xi32, #tpu.memory_space<hbm>> -> memref<1x128xi32, #tpu.memory_space<hbm>>
      %dma_wait3A_146 = tpu.memref_squeeze %dma_wait3A_145 : memref<1x128xi32, #tpu.memory_space<hbm>> -> memref<128xi32, #tpu.memory_space<hbm>>
      tpu.wait_dma2 semaphore(%arg12 : memref<!tpu.dma_semaphore, #tpu.memory_space<semaphore_mem>>) src(%dma_wait3A_146 : memref<128xi32, #tpu.memory_space<hbm>>) dst(%dma_wait3A_143 : memref<128xi32, #tpu.memory_space<vmem>>)
      %dma_start3A_147 = arith.constant 0 : i32
      %dma_start3A_148 = arith.constant 0 : i32
      %dma_start3A_149 = tpu.memref_slice %arg7[%dma_start3A_147, %dma_start3A_148] : memref<2x128xi32, #tpu.memory_space<vmem>> -> memref<1x128xi32, #tpu.memory_space<vmem>>
      %dma_start3A_150 = tpu.memref_squeeze %dma_start3A_149 : memref<1x128xi32, #tpu.memory_space<vmem>> -> memref<128xi32, #tpu.memory_space<vmem>>
      %dma_start3A_151 = arith.constant 0 : i32
      %dma_start3A_152 = arith.constant 0 : i32
      %dma_start3A_153 = tpu.memref_slice %arg2[%dma_start3A_151, %dma_start3A_152] : memref<10000x128xf32, #tpu.memory_space<hbm>> -> memref<10000x128xf32, #tpu.memory_space<hbm>>
      tpu.enqueue_indirect_dma source(%dma_start3A_153 : memref<10000x128xf32, #tpu.memory_space<hbm>>) target(%arg9 : memref<128x128xf32, #tpu.memory_space<vmem>>) offsets(%dma_start3A_150 : memref<128xi32, #tpu.memory_space<vmem>>) semaphore(%arg13 : memref<!tpu.dma_semaphore, #tpu.memory_space<semaphore_mem>>)
      %dma_wait3A_154 = arith.constant 0 : i32
      %dma_wait3A_155 = arith.constant 0 : i32
      %dma_wait3A_156 = tpu.memref_slice %arg7[%dma_wait3A_154, %dma_wait3A_155] : memref<2x128xi32, #tpu.memory_space<vmem>> -> memref<1x128xi32, #tpu.memory_space<vmem>>
      %dma_wait3A_157 = tpu.memref_squeeze %dma_wait3A_156 : memref<1x128xi32, #tpu.memory_space<vmem>> -> memref<128xi32, #tpu.memory_space<vmem>>
      %dma_wait3A_158 = arith.constant 0 : i32
      %dma_wait3A_159 = arith.constant 0 : i32
      %dma_wait3A_160 = tpu.memref_slice %arg2[%dma_wait3A_158, %dma_wait3A_159] : memref<10000x128xf32, #tpu.memory_space<hbm>> -> memref<10000x128xf32, #tpu.memory_space<hbm>>
      tpu.wait_indirect_dma semaphore(%arg13 : memref<!tpu.dma_semaphore, #tpu.memory_space<semaphore_mem>>) src(%dma_wait3A_160 : memref<10000x128xf32, #tpu.memory_space<hbm>>) dst(%arg9 : memref<128x128xf32, #tpu.memory_space<vmem>>)
      %dma_start3A_161 = arith.constant 1 : i32
      %dma_start3A_162 = arith.constant 0 : i32
      %dma_start3A_163 = tpu.memref_slice %arg7[%dma_start3A_161, %dma_start3A_162] : memref<2x128xi32, #tpu.memory_space<vmem>> -> memref<1x128xi32, #tpu.memory_space<vmem>>
      %dma_start3A_164 = tpu.memref_squeeze %dma_start3A_163 : memref<1x128xi32, #tpu.memory_space<vmem>> -> memref<128xi32, #tpu.memory_space<vmem>>
      %dma_start3A_165 = arith.constant 0 : i32
      %dma_start3A_166 = arith.constant 0 : i32
      %dma_start3A_167 = tpu.memref_slice %arg11[%dma_start3A_165, %dma_start3A_166] : memref<10240x128xf32, #tpu.memory_space<vmem_shared>> -> memref<10240x128xf32, #tpu.memory_space<vmem_shared>>
      tpu.enqueue_indirect_dma source(%arg9 : memref<128x128xf32, #tpu.memory_space<vmem>>) target(%dma_start3A_167 : memref<10240x128xf32, #tpu.memory_space<vmem_shared>>) offsets(%dma_start3A_164 : memref<128xi32, #tpu.memory_space<vmem>>) semaphore(%arg14 : memref<!tpu.dma_semaphore, #tpu.memory_space<semaphore_mem>>) {add = true}
      %gt3A = arith.constant 0 : i32
      %gt3A_168 = arith.cmpi sgt, %while3A_116, %gt3A : i32
      %convert_element_type3A_169 = arith.extui %gt3A_168 : i1 to i32
      %cond3A_170 = arith.constant 0 : i32
      %cond3A_171 = arith.cmpi ne, %convert_element_type3A_169, %cond3A_170 : i32
      scf.if %cond3A_171 {
        %dma_wait3A_260 = arith.constant 1 : i32
        %dma_wait3A_261 = arith.constant 0 : i32
        %dma_wait3A_262 = tpu.memref_slice %arg8[%dma_wait3A_260, %dma_wait3A_261] : memref<2x128xi32, #tpu.memory_space<vmem>> -> memref<1x128xi32, #tpu.memory_space<vmem>>
        %dma_wait3A_263 = tpu.memref_squeeze %dma_wait3A_262 : memref<1x128xi32, #tpu.memory_space<vmem>> -> memref<128xi32, #tpu.memory_space<vmem>>
        %dma_wait3A_264 = arith.constant 0 : i32
        %dma_wait3A_265 = arith.constant 0 : i32
        %dma_wait3A_266 = tpu.memref_slice %arg11[%dma_wait3A_264, %dma_wait3A_265] : memref<10240x128xf32, #tpu.memory_space<vmem_shared>> -> memref<10240x128xf32, #tpu.memory_space<vmem_shared>>
        tpu.wait_indirect_dma semaphore(%arg14 : memref<!tpu.dma_semaphore, #tpu.memory_space<semaphore_mem>>) src(%arg10 : memref<128x128xf32, #tpu.memory_space<vmem>>) dst(%dma_wait3A_266 : memref<10240x128xf32, #tpu.memory_space<vmem_shared>>)
      } else {
      }
      %add3A_172 = arith.constant 1 : i32
      %add3A_173 = arith.addi %mul3A_118, %add3A_172 : i32
      %add3A_174 = arith.addi %select_n3A_8, %add3A_173 : i32
      %mul3A_175 = arith.constant 128 : i32
      %mul3A_176 = arith.muli %add3A_174, %mul3A_175 : i32
      %lt3A_177 = arith.constant 320000 : i32
      %lt3A_178 = arith.cmpi slt, %mul3A_176, %lt3A_177 : i32
      %convert_element_type3A_179 = arith.extui %lt3A_178 : i1 to i32
      %cond3A_180 = arith.constant 0 : i32
      %cond3A_181 = arith.cmpi ne, %convert_element_type3A_179, %cond3A_180 : i32
      scf.if %cond3A_181 {
        %dma_start3A_260 = arith.constant 0 : i32
        %dma_start3A_261 = arith.constant 0 : i32
        %dma_start3A_262 = arith.constant 0 : i32
        %dma_start3A_263 = tpu.memref_slice %arg8[%dma_start3A_261, %dma_start3A_262] : memref<2x128xi32, #tpu.memory_space<vmem>> -> memref<1x128xi32, #tpu.memory_space<vmem>>
        %dma_start3A_264 = tpu.memref_squeeze %dma_start3A_263 : memref<1x128xi32, #tpu.memory_space<vmem>> -> memref<128xi32, #tpu.memory_space<vmem>>
        %dma_start3A_265 = tpu.memref_slice %arg3[%dma_start3A_260, %mul3A_176] : memref<2x320000xi32, #tpu.memory_space<hbm>> -> memref<1x128xi32, #tpu.memory_space<hbm>>
        %dma_start3A_266 = tpu.memref_squeeze %dma_start3A_265 : memref<1x128xi32, #tpu.memory_space<hbm>> -> memref<128xi32, #tpu.memory_space<hbm>>
        %dma_start3A_267 = arith.constant 0 : i32
        %dma_start3A_268 = tpu.memref_slice %arg8[%dma_start3A_261, %dma_start3A_267] : memref<2x128xi32, #tpu.memory_space<vmem>> -> memref<1x128xi32, #tpu.memory_space<vmem>>
        %dma_start3A_269 = tpu.memref_squeeze %dma_start3A_268 : memref<1x128xi32, #tpu.memory_space<vmem>> -> memref<128xi32, #tpu.memory_space<vmem>>
        %dma_start3A_270 = tpu.memref_slice %arg3[%dma_start3A_260, %mul3A_176] : memref<2x320000xi32, #tpu.memory_space<hbm>> -> memref<1x128xi32, #tpu.memory_space<hbm>>
        %dma_start3A_271 = tpu.memref_squeeze %dma_start3A_270 : memref<1x128xi32, #tpu.memory_space<hbm>> -> memref<128xi32, #tpu.memory_space<hbm>>
        tpu.enqueue_dma source(%dma_start3A_271 : memref<128xi32, #tpu.memory_space<hbm>>) target(%dma_start3A_269 : memref<128xi32, #tpu.memory_space<vmem>>) target_semaphore(%arg12 : memref<!tpu.dma_semaphore, #tpu.memory_space<semaphore_mem>>)
        %dma_start3A_272 = arith.constant 1 : i32
        %dma_start3A_273 = arith.constant 1 : i32
        %dma_start3A_274 = arith.constant 0 : i32
        %dma_start3A_275 = tpu.memref_slice %arg8[%dma_start3A_273, %dma_start3A_274] : memref<2x128xi32, #tpu.memory_space<vmem>> -> memref<1x128xi32, #tpu.memory_space<vmem>>
        %dma_start3A_276 = tpu.memref_squeeze %dma_start3A_275 : memref<1x128xi32, #tpu.memory_space<vmem>> -> memref<128xi32, #tpu.memory_space<vmem>>
        %dma_start3A_277 = tpu.memref_slice %arg3[%dma_start3A_272, %mul3A_176] : memref<2x320000xi32, #tpu.memory_space<hbm>> -> memref<1x128xi32, #tpu.memory_space<hbm>>
        %dma_start3A_278 = tpu.memref_squeeze %dma_start3A_277 : memref<1x128xi32, #tpu.memory_space<hbm>> -> memref<128xi32, #tpu.memory_space<hbm>>
        %dma_start3A_279 = arith.constant 0 : i32
        %dma_start3A_280 = tpu.memref_slice %arg8[%dma_start3A_273, %dma_start3A_279] : memref<2x128xi32, #tpu.memory_space<vmem>> -> memref<1x128xi32, #tpu.memory_space<vmem>>
        %dma_start3A_281 = tpu.memref_squeeze %dma_start3A_280 : memref<1x128xi32, #tpu.memory_space<vmem>> -> memref<128xi32, #tpu.memory_space<vmem>>
        %dma_start3A_282 = tpu.memref_slice %arg3[%dma_start3A_272, %mul3A_176] : memref<2x320000xi32, #tpu.memory_space<hbm>> -> memref<1x128xi32, #tpu.memory_space<hbm>>
        %dma_start3A_283 = tpu.memref_squeeze %dma_start3A_282 : memref<1x128xi32, #tpu.memory_space<hbm>> -> memref<128xi32, #tpu.memory_space<hbm>>
        tpu.enqueue_dma source(%dma_start3A_283 : memref<128xi32, #tpu.memory_space<hbm>>) target(%dma_start3A_281 : memref<128xi32, #tpu.memory_space<vmem>>) target_semaphore(%arg12 : memref<!tpu.dma_semaphore, #tpu.memory_space<semaphore_mem>>)
      } else {
      }
      %ge3A_182 = arith.constant 320000 : i32
      %ge3A_183 = arith.cmpi sge, %mul3A_176, %ge3A_182 : i32
      %convert_element_type3A_184 = arith.extui %ge3A_183 : i1 to i32
      %cond3A_185 = arith.constant 0 : i32
      %cond3A_186 = arith.cmpi ne, %convert_element_type3A_184, %cond3A_185 : i32
      scf.if %cond3A_186 {
        %sub3A_260 = arith.constant 320000 : i32
        %sub3A_261 = arith.subi %mul3A_176, %sub3A_260 : i32
        %dma_start3A_262 = arith.constant 0 : i32
        %dma_start3A_263 = arith.constant 0 : i32
        %dma_start3A_264 = arith.constant 0 : i32
        %dma_start3A_265 = tpu.memref_slice %arg8[%dma_start3A_263, %dma_start3A_264] : memref<2x128xi32, #tpu.memory_space<vmem>> -> memref<1x128xi32, #tpu.memory_space<vmem>>
        %dma_start3A_266 = tpu.memref_squeeze %dma_start3A_265 : memref<1x128xi32, #tpu.memory_space<vmem>> -> memref<128xi32, #tpu.memory_space<vmem>>
        %dma_start3A_267 = tpu.memref_slice %arg4[%dma_start3A_262, %sub3A_261] : memref<2x3584xi32, #tpu.memory_space<hbm>> -> memref<1x128xi32, #tpu.memory_space<hbm>>
        %dma_start3A_268 = tpu.memref_squeeze %dma_start3A_267 : memref<1x128xi32, #tpu.memory_space<hbm>> -> memref<128xi32, #tpu.memory_space<hbm>>
        %dma_start3A_269 = arith.constant 0 : i32
        %dma_start3A_270 = tpu.memref_slice %arg8[%dma_start3A_263, %dma_start3A_269] : memref<2x128xi32, #tpu.memory_space<vmem>> -> memref<1x128xi32, #tpu.memory_space<vmem>>
        %dma_start3A_271 = tpu.memref_squeeze %dma_start3A_270 : memref<1x128xi32, #tpu.memory_space<vmem>> -> memref<128xi32, #tpu.memory_space<vmem>>
        %dma_start3A_272 = tpu.memref_slice %arg4[%dma_start3A_262, %sub3A_261] : memref<2x3584xi32, #tpu.memory_space<hbm>> -> memref<1x128xi32, #tpu.memory_space<hbm>>
        %dma_start3A_273 = tpu.memref_squeeze %dma_start3A_272 : memref<1x128xi32, #tpu.memory_space<hbm>> -> memref<128xi32, #tpu.memory_space<hbm>>
        tpu.enqueue_dma source(%dma_start3A_273 : memref<128xi32, #tpu.memory_space<hbm>>) target(%dma_start3A_271 : memref<128xi32, #tpu.memory_space<vmem>>) target_semaphore(%arg12 : memref<!tpu.dma_semaphore, #tpu.memory_space<semaphore_mem>>)
        %dma_start3A_274 = arith.constant 1 : i32
        %dma_start3A_275 = arith.constant 1 : i32
        %dma_start3A_276 = arith.constant 0 : i32
        %dma_start3A_277 = tpu.memref_slice %arg8[%dma_start3A_275, %dma_start3A_276] : memref<2x128xi32, #tpu.memory_space<vmem>> -> memref<1x128xi32, #tpu.memory_space<vmem>>
        %dma_start3A_278 = tpu.memref_squeeze %dma_start3A_277 : memref<1x128xi32, #tpu.memory_space<vmem>> -> memref<128xi32, #tpu.memory_space<vmem>>
        %dma_start3A_279 = tpu.memref_slice %arg4[%dma_start3A_274, %sub3A_261] : memref<2x3584xi32, #tpu.memory_space<hbm>> -> memref<1x128xi32, #tpu.memory_space<hbm>>
        %dma_start3A_280 = tpu.memref_squeeze %dma_start3A_279 : memref<1x128xi32, #tpu.memory_space<hbm>> -> memref<128xi32, #tpu.memory_space<hbm>>
        %dma_start3A_281 = arith.constant 0 : i32
        %dma_start3A_282 = tpu.memref_slice %arg8[%dma_start3A_275, %dma_start3A_281] : memref<2x128xi32, #tpu.memory_space<vmem>> -> memref<1x128xi32, #tpu.memory_space<vmem>>
        %dma_start3A_283 = tpu.memref_squeeze %dma_start3A_282 : memref<1x128xi32, #tpu.memory_space<vmem>> -> memref<128xi32, #tpu.memory_space<vmem>>
        %dma_start3A_284 = tpu.memref_slice %arg4[%dma_start3A_274, %sub3A_261] : memref<2x3584xi32, #tpu.memory_space<hbm>> -> memref<1x128xi32, #tpu.memory_space<hbm>>
        %dma_start3A_285 = tpu.memref_squeeze %dma_start3A_284 : memref<1x128xi32, #tpu.memory_space<hbm>> -> memref<128xi32, #tpu.memory_space<hbm>>
        tpu.enqueue_dma source(%dma_start3A_285 : memref<128xi32, #tpu.memory_space<hbm>>) target(%dma_start3A_283 : memref<128xi32, #tpu.memory_space<vmem>>) target_semaphore(%arg12 : memref<!tpu.dma_semaphore, #tpu.memory_space<semaphore_mem>>)
      } else {
      }
      %dma_wait3A_187 = arith.constant 0 : i32
      %dma_wait3A_188 = arith.constant 0 : i32
      %dma_wait3A_189 = arith.constant 0 : i32
      %dma_wait3A_190 = tpu.memref_slice %arg8[%dma_wait3A_188, %dma_wait3A_189] : memref<2x128xi32, #tpu.memory_space<vmem>> -> memref<1x128xi32, #tpu.memory_space<vmem>>
      %dma_wait3A_191 = tpu.memref_squeeze %dma_wait3A_190 : memref<1x128xi32, #tpu.memory_space<vmem>> -> memref<128xi32, #tpu.memory_space<vmem>>
      %dma_wait3A_192 = arith.constant 0 : i32
      %dma_wait3A_193 = tpu.memref_slice %arg3[%dma_wait3A_187, %dma_wait3A_192] : memref<2x320000xi32, #tpu.memory_space<hbm>> -> memref<1x128xi32, #tpu.memory_space<hbm>>
      %dma_wait3A_194 = tpu.memref_squeeze %dma_wait3A_193 : memref<1x128xi32, #tpu.memory_space<hbm>> -> memref<128xi32, #tpu.memory_space<hbm>>
      %dma_wait3A_195 = arith.constant 0 : i32
      %dma_wait3A_196 = tpu.memref_slice %arg8[%dma_wait3A_188, %dma_wait3A_195] : memref<2x128xi32, #tpu.memory_space<vmem>> -> memref<1x128xi32, #tpu.memory_space<vmem>>
      %dma_wait3A_197 = tpu.memref_squeeze %dma_wait3A_196 : memref<1x128xi32, #tpu.memory_space<vmem>> -> memref<128xi32, #tpu.memory_space<vmem>>
      %dma_wait3A_198 = arith.constant 0 : i32
      %dma_wait3A_199 = tpu.memref_slice %arg3[%dma_wait3A_187, %dma_wait3A_198] : memref<2x320000xi32, #tpu.memory_space<hbm>> -> memref<1x128xi32, #tpu.memory_space<hbm>>
      %dma_wait3A_200 = tpu.memref_squeeze %dma_wait3A_199 : memref<1x128xi32, #tpu.memory_space<hbm>> -> memref<128xi32, #tpu.memory_space<hbm>>
      tpu.wait_dma2 semaphore(%arg12 : memref<!tpu.dma_semaphore, #tpu.memory_space<semaphore_mem>>) src(%dma_wait3A_200 : memref<128xi32, #tpu.memory_space<hbm>>) dst(%dma_wait3A_197 : memref<128xi32, #tpu.memory_space<vmem>>)
      %dma_wait3A_201 = arith.constant 1 : i32
      %dma_wait3A_202 = arith.constant 1 : i32
      %dma_wait3A_203 = arith.constant 0 : i32
      %dma_wait3A_204 = tpu.memref_slice %arg8[%dma_wait3A_202, %dma_wait3A_203] : memref<2x128xi32, #tpu.memory_space<vmem>> -> memref<1x128xi32, #tpu.memory_space<vmem>>
      %dma_wait3A_205 = tpu.memref_squeeze %dma_wait3A_204 : memref<1x128xi32, #tpu.memory_space<vmem>> -> memref<128xi32, #tpu.memory_space<vmem>>
      %dma_wait3A_206 = arith.constant 0 : i32
      %dma_wait3A_207 = tpu.memref_slice %arg3[%dma_wait3A_201, %dma_wait3A_206] : memref<2x320000xi32, #tpu.memory_space<hbm>> -> memref<1x128xi32, #tpu.memory_space<hbm>>
      %dma_wait3A_208 = tpu.memref_squeeze %dma_wait3A_207 : memref<1x128xi32, #tpu.memory_space<hbm>> -> memref<128xi32, #tpu.memory_space<hbm>>
      %dma_wait3A_209 = arith.constant 0 : i32
      %dma_wait3A_210 = tpu.memref_slice %arg8[%dma_wait3A_202, %dma_wait3A_209] : memref<2x128xi32, #tpu.memory_space<vmem>> -> memref<1x128xi32, #tpu.memory_space<vmem>>
      %dma_wait3A_211 = tpu.memref_squeeze %dma_wait3A_210 : memref<1x128xi32, #tpu.memory_space<vmem>> -> memref<128xi32, #tpu.memory_space<vmem>>
      %dma_wait3A_212 = arith.constant 0 : i32
      %dma_wait3A_213 = tpu.memref_slice %arg3[%dma_wait3A_201, %dma_wait3A_212] : memref<2x320000xi32, #tpu.memory_space<hbm>> -> memref<1x128xi32, #tpu.memory_space<hbm>>
      %dma_wait3A_214 = tpu.memref_squeeze %dma_wait3A_213 : memref<1x128xi32, #tpu.memory_space<hbm>> -> memref<128xi32, #tpu.memory_space<hbm>>
      tpu.wait_dma2 semaphore(%arg12 : memref<!tpu.dma_semaphore, #tpu.memory_space<semaphore_mem>>) src(%dma_wait3A_214 : memref<128xi32, #tpu.memory_space<hbm>>) dst(%dma_wait3A_211 : memref<128xi32, #tpu.memory_space<vmem>>)
      %dma_start3A_215 = arith.constant 0 : i32
      %dma_start3A_216 = arith.constant 0 : i32
      %dma_start3A_217 = tpu.memref_slice %arg8[%dma_start3A_215, %dma_start3A_216] : memref<2x128xi32, #tpu.memory_space<vmem>> -> memref<1x128xi32, #tpu.memory_space<vmem>>
      %dma_start3A_218 = tpu.memref_squeeze %dma_start3A_217 : memref<1x128xi32, #tpu.memory_space<vmem>> -> memref<128xi32, #tpu.memory_space<vmem>>
      %dma_start3A_219 = arith.constant 0 : i32
      %dma_start3A_220 = arith.constant 0 : i32
      %dma_start3A_221 = tpu.memref_slice %arg2[%dma_start3A_219, %dma_start3A_220] : memref<10000x128xf32, #tpu.memory_space<hbm>> -> memref<10000x128xf32, #tpu.memory_space<hbm>>
      tpu.enqueue_indirect_dma source(%dma_start3A_221 : memref<10000x128xf32, #tpu.memory_space<hbm>>) target(%arg10 : memref<128x128xf32, #tpu.memory_space<vmem>>) offsets(%dma_start3A_218 : memref<128xi32, #tpu.memory_space<vmem>>) semaphore(%arg13 : memref<!tpu.dma_semaphore, #tpu.memory_space<semaphore_mem>>)
      %dma_wait3A_222 = arith.constant 0 : i32
      %dma_wait3A_223 = arith.constant 0 : i32
      %dma_wait3A_224 = tpu.memref_slice %arg8[%dma_wait3A_222, %dma_wait3A_223] : memref<2x128xi32, #tpu.memory_space<vmem>> -> memref<1x128xi32, #tpu.memory_space<vmem>>
      %dma_wait3A_225 = tpu.memref_squeeze %dma_wait3A_224 : memref<1x128xi32, #tpu.memory_space<vmem>> -> memref<128xi32, #tpu.memory_space<vmem>>
      %dma_wait3A_226 = arith.constant 0 : i32
      %dma_wait3A_227 = arith.constant 0 : i32
      %dma_wait3A_228 = tpu.memref_slice %arg2[%dma_wait3A_226, %dma_wait3A_227] : memref<10000x128xf32, #tpu.memory_space<hbm>> -> memref<10000x128xf32, #tpu.memory_space<hbm>>
      tpu.wait_indirect_dma semaphore(%arg13 : memref<!tpu.dma_semaphore, #tpu.memory_space<semaphore_mem>>) src(%dma_wait3A_228 : memref<10000x128xf32, #tpu.memory_space<hbm>>) dst(%arg10 : memref<128x128xf32, #tpu.memory_space<vmem>>)
      %dma_start3A_229 = arith.constant 1 : i32
      %dma_start3A_230 = arith.constant 0 : i32
      %dma_start3A_231 = tpu.memref_slice %arg8[%dma_start3A_229, %dma_start3A_230] : memref<2x128xi32, #tpu.memory_space<vmem>> -> memref<1x128xi32, #tpu.memory_space<vmem>>
      %dma_start3A_232 = tpu.memref_squeeze %dma_start3A_231 : memref<1x128xi32, #tpu.memory_space<vmem>> -> memref<128xi32, #tpu.memory_space<vmem>>
      %dma_start3A_233 = arith.constant 0 : i32
      %dma_start3A_234 = arith.constant 0 : i32
      %dma_start3A_235 = tpu.memref_slice %arg11[%dma_start3A_233, %dma_start3A_234] : memref<10240x128xf32, #tpu.memory_space<vmem_shared>> -> memref<10240x128xf32, #tpu.memory_space<vmem_shared>>
      tpu.enqueue_indirect_dma source(%arg10 : memref<128x128xf32, #tpu.memory_space<vmem>>) target(%dma_start3A_235 : memref<10240x128xf32, #tpu.memory_space<vmem_shared>>) offsets(%dma_start3A_232 : memref<128xi32, #tpu.memory_space<vmem>>) semaphore(%arg14 : memref<!tpu.dma_semaphore, #tpu.memory_space<semaphore_mem>>) {add = true}
      %dma_wait3A_236 = arith.constant 1 : i32
      %dma_wait3A_237 = arith.constant 0 : i32
      %dma_wait3A_238 = tpu.memref_slice %arg7[%dma_wait3A_236, %dma_wait3A_237] : memref<2x128xi32, #tpu.memory_space<vmem>> -> memref<1x128xi32, #tpu.memory_space<vmem>>
      %dma_wait3A_239 = tpu.memref_squeeze %dma_wait3A_238 : memref<1x128xi32, #tpu.memory_space<vmem>> -> memref<128xi32, #tpu.memory_space<vmem>>
      %dma_wait3A_240 = arith.constant 0 : i32
      %dma_wait3A_241 = arith.constant 0 : i32
      %dma_wait3A_242 = tpu.memref_slice %arg11[%dma_wait3A_240, %dma_wait3A_241] : memref<10240x128xf32, #tpu.memory_space<vmem_shared>> -> memref<10240x128xf32, #tpu.memory_space<vmem_shared>>
      tpu.wait_indirect_dma semaphore(%arg14 : memref<!tpu.dma_semaphore, #tpu.memory_space<semaphore_mem>>) src(%arg9 : memref<128x128xf32, #tpu.memory_space<vmem>>) dst(%dma_wait3A_242 : memref<10240x128xf32, #tpu.memory_space<vmem_shared>>)
      %add3A_243 = arith.constant 2 : i32
      %add3A_244 = arith.addi %mul3A_118, %add3A_243 : i32
      %sub3A_245 = arith.constant 1 : i32
      %sub3A_246 = arith.subi %select_n3A, %sub3A_245 : i32
      %min3A = arith.minsi %add3A_244, %sub3A_246 : i32
      %add3A_247 = arith.addi %select_n3A_8, %min3A : i32
      %mul3A_248 = arith.constant 128 : i32
      %mul3A_249 = arith.muli %add3A_247, %mul3A_248 : i32
      %lt3A_250 = arith.constant 320000 : i32
      %lt3A_251 = arith.cmpi slt, %mul3A_249, %lt3A_250 : i32
      %convert_element_type3A_252 = arith.extui %lt3A_251 : i1 to i32
      %cond3A_253 = arith.constant 0 : i32
      %cond3A_254 = arith.cmpi ne, %convert_element_type3A_252, %cond3A_253 : i32
      scf.if %cond3A_254 {
        %dma_start3A_260 = arith.constant 0 : i32
        %dma_start3A_261 = arith.constant 0 : i32
        %dma_start3A_262 = arith.constant 0 : i32
        %dma_start3A_263 = tpu.memref_slice %arg7[%dma_start3A_261, %dma_start3A_262] : memref<2x128xi32, #tpu.memory_space<vmem>> -> memref<1x128xi32, #tpu.memory_space<vmem>>
        %dma_start3A_264 = tpu.memref_squeeze %dma_start3A_263 : memref<1x128xi32, #tpu.memory_space<vmem>> -> memref<128xi32, #tpu.memory_space<vmem>>
        %dma_start3A_265 = tpu.memref_slice %arg3[%dma_start3A_260, %mul3A_249] : memref<2x320000xi32, #tpu.memory_space<hbm>> -> memref<1x128xi32, #tpu.memory_space<hbm>>
        %dma_start3A_266 = tpu.memref_squeeze %dma_start3A_265 : memref<1x128xi32, #tpu.memory_space<hbm>> -> memref<128xi32, #tpu.memory_space<hbm>>
        %dma_start3A_267 = arith.constant 0 : i32
        %dma_start3A_268 = tpu.memref_slice %arg7[%dma_start3A_261, %dma_start3A_267] : memref<2x128xi32, #tpu.memory_space<vmem>> -> memref<1x128xi32, #tpu.memory_space<vmem>>
        %dma_start3A_269 = tpu.memref_squeeze %dma_start3A_268 : memref<1x128xi32, #tpu.memory_space<vmem>> -> memref<128xi32, #tpu.memory_space<vmem>>
        %dma_start3A_270 = tpu.memref_slice %arg3[%dma_start3A_260, %mul3A_249] : memref<2x320000xi32, #tpu.memory_space<hbm>> -> memref<1x128xi32, #tpu.memory_space<hbm>>
        %dma_start3A_271 = tpu.memref_squeeze %dma_start3A_270 : memref<1x128xi32, #tpu.memory_space<hbm>> -> memref<128xi32, #tpu.memory_space<hbm>>
        tpu.enqueue_dma source(%dma_start3A_271 : memref<128xi32, #tpu.memory_space<hbm>>) target(%dma_start3A_269 : memref<128xi32, #tpu.memory_space<vmem>>) target_semaphore(%arg12 : memref<!tpu.dma_semaphore, #tpu.memory_space<semaphore_mem>>)
        %dma_start3A_272 = arith.constant 1 : i32
        %dma_start3A_273 = arith.constant 1 : i32
        %dma_start3A_274 = arith.constant 0 : i32
        %dma_start3A_275 = tpu.memref_slice %arg7[%dma_start3A_273, %dma_start3A_274] : memref<2x128xi32, #tpu.memory_space<vmem>> -> memref<1x128xi32, #tpu.memory_space<vmem>>
        %dma_start3A_276 = tpu.memref_squeeze %dma_start3A_275 : memref<1x128xi32, #tpu.memory_space<vmem>> -> memref<128xi32, #tpu.memory_space<vmem>>
        %dma_start3A_277 = tpu.memref_slice %arg3[%dma_start3A_272, %mul3A_249] : memref<2x320000xi32, #tpu.memory_space<hbm>> -> memref<1x128xi32, #tpu.memory_space<hbm>>
        %dma_start3A_278 = tpu.memref_squeeze %dma_start3A_277 : memref<1x128xi32, #tpu.memory_space<hbm>> -> memref<128xi32, #tpu.memory_space<hbm>>
        %dma_start3A_279 = arith.constant 0 : i32
        %dma_start3A_280 = tpu.memref_slice %arg7[%dma_start3A_273, %dma_start3A_279] : memref<2x128xi32, #tpu.memory_space<vmem>> -> memref<1x128xi32, #tpu.memory_space<vmem>>
        %dma_start3A_281 = tpu.memref_squeeze %dma_start3A_280 : memref<1x128xi32, #tpu.memory_space<vmem>> -> memref<128xi32, #tpu.memory_space<vmem>>
        %dma_start3A_282 = tpu.memref_slice %arg3[%dma_start3A_272, %mul3A_249] : memref<2x320000xi32, #tpu.memory_space<hbm>> -> memref<1x128xi32, #tpu.memory_space<hbm>>
        %dma_start3A_283 = tpu.memref_squeeze %dma_start3A_282 : memref<1x128xi32, #tpu.memory_space<hbm>> -> memref<128xi32, #tpu.memory_space<hbm>>
        tpu.enqueue_dma source(%dma_start3A_283 : memref<128xi32, #tpu.memory_space<hbm>>) target(%dma_start3A_281 : memref<128xi32, #tpu.memory_space<vmem>>) target_semaphore(%arg12 : memref<!tpu.dma_semaphore, #tpu.memory_space<semaphore_mem>>)
      } else {
      }
      %ge3A_255 = arith.constant 320000 : i32
      %ge3A_256 = arith.cmpi sge, %mul3A_249, %ge3A_255 : i32
      %convert_element_type3A_257 = arith.extui %ge3A_256 : i1 to i32
      %cond3A_258 = arith.constant 0 : i32
      %cond3A_259 = arith.cmpi ne, %convert_element_type3A_257, %cond3A_258 : i32
      scf.if %cond3A_259 {
        %sub3A_260 = arith.constant 320000 : i32
        %sub3A_261 = arith.subi %mul3A_249, %sub3A_260 : i32
        %dma_start3A_262 = arith.constant 0 : i32
        %dma_start3A_263 = arith.constant 0 : i32
        %dma_start3A_264 = arith.constant 0 : i32
        %dma_start3A_265 = tpu.memref_slice %arg7[%dma_start3A_263, %dma_start3A_264] : memref<2x128xi32, #tpu.memory_space<vmem>> -> memref<1x128xi32, #tpu.memory_space<vmem>>
        %dma_start3A_266 = tpu.memref_squeeze %dma_start3A_265 : memref<1x128xi32, #tpu.memory_space<vmem>> -> memref<128xi32, #tpu.memory_space<vmem>>
        %dma_start3A_267 = tpu.memref_slice %arg4[%dma_start3A_262, %sub3A_261] : memref<2x3584xi32, #tpu.memory_space<hbm>> -> memref<1x128xi32, #tpu.memory_space<hbm>>
        %dma_start3A_268 = tpu.memref_squeeze %dma_start3A_267 : memref<1x128xi32, #tpu.memory_space<hbm>> -> memref<128xi32, #tpu.memory_space<hbm>>
        %dma_start3A_269 = arith.constant 0 : i32
        %dma_start3A_270 = tpu.memref_slice %arg7[%dma_start3A_263, %dma_start3A_269] : memref<2x128xi32, #tpu.memory_space<vmem>> -> memref<1x128xi32, #tpu.memory_space<vmem>>
        %dma_start3A_271 = tpu.memref_squeeze %dma_start3A_270 : memref<1x128xi32, #tpu.memory_space<vmem>> -> memref<128xi32, #tpu.memory_space<vmem>>
        %dma_start3A_272 = tpu.memref_slice %arg4[%dma_start3A_262, %sub3A_261] : memref<2x3584xi32, #tpu.memory_space<hbm>> -> memref<1x128xi32, #tpu.memory_space<hbm>>
        %dma_start3A_273 = tpu.memref_squeeze %dma_start3A_272 : memref<1x128xi32, #tpu.memory_space<hbm>> -> memref<128xi32, #tpu.memory_space<hbm>>
        tpu.enqueue_dma source(%dma_start3A_273 : memref<128xi32, #tpu.memory_space<hbm>>) target(%dma_start3A_271 : memref<128xi32, #tpu.memory_space<vmem>>) target_semaphore(%arg12 : memref<!tpu.dma_semaphore, #tpu.memory_space<semaphore_mem>>)
        %dma_start3A_274 = arith.constant 1 : i32
        %dma_start3A_275 = arith.constant 1 : i32
        %dma_start3A_276 = arith.constant 0 : i32
        %dma_start3A_277 = tpu.memref_slice %arg7[%dma_start3A_275, %dma_start3A_276] : memref<2x128xi32, #tpu.memory_space<vmem>> -> memref<1x128xi32, #tpu.memory_space<vmem>>
        %dma_start3A_278 = tpu.memref_squeeze %dma_start3A_277 : memref<1x128xi32, #tpu.memory_space<vmem>> -> memref<128xi32, #tpu.memory_space<vmem>>
        %dma_start3A_279 = tpu.memref_slice %arg4[%dma_start3A_274, %sub3A_261] : memref<2x3584xi32, #tpu.memory_space<hbm>> -> memref<1x128xi32, #tpu.memory_space<hbm>>
        %dma_start3A_280 = tpu.memref_squeeze %dma_start3A_279 : memref<1x128xi32, #tpu.memory_space<hbm>> -> memref<128xi32, #tpu.memory_space<hbm>>
        %dma_start3A_281 = arith.constant 0 : i32
        %dma_start3A_282 = tpu.memref_slice %arg7[%dma_start3A_275, %dma_start3A_281] : memref<2x128xi32, #tpu.memory_space<vmem>> -> memref<1x128xi32, #tpu.memory_space<vmem>>
        %dma_start3A_283 = tpu.memref_squeeze %dma_start3A_282 : memref<1x128xi32, #tpu.memory_space<vmem>> -> memref<128xi32, #tpu.memory_space<vmem>>
        %dma_start3A_284 = tpu.memref_slice %arg4[%dma_start3A_274, %sub3A_261] : memref<2x3584xi32, #tpu.memory_space<hbm>> -> memref<1x128xi32, #tpu.memory_space<hbm>>
        %dma_start3A_285 = tpu.memref_squeeze %dma_start3A_284 : memref<1x128xi32, #tpu.memory_space<hbm>> -> memref<128xi32, #tpu.memory_space<hbm>>
        tpu.enqueue_dma source(%dma_start3A_285 : memref<128xi32, #tpu.memory_space<hbm>>) target(%dma_start3A_283 : memref<128xi32, #tpu.memory_space<vmem>>) target_semaphore(%arg12 : memref<!tpu.dma_semaphore, #tpu.memory_space<semaphore_mem>>)
      } else {
      }
    }
    %while3A_49 = arith.constant 1 : i32
    scf.for %while3A_116 = %while3A_47 to %while3A_43 step %while3A_49  : i32 {
      %mul3A_117 = arith.constant 2 : i32
      %mul3A_118 = arith.muli %mul3A_117, %while3A_116 : i32
      %dma_wait3A_119 = arith.constant 0 : i32
      %dma_wait3A_120 = arith.constant 0 : i32
      %dma_wait3A_121 = arith.constant 0 : i32
      %dma_wait3A_122 = tpu.memref_slice %arg7[%dma_wait3A_120, %dma_wait3A_121] : memref<2x128xi32, #tpu.memory_space<vmem>> -> memref<1x128xi32, #tpu.memory_space<vmem>>
      %dma_wait3A_123 = tpu.memref_squeeze %dma_wait3A_122 : memref<1x128xi32, #tpu.memory_space<vmem>> -> memref<128xi32, #tpu.memory_space<vmem>>
      %dma_wait3A_124 = arith.constant 0 : i32
      %dma_wait3A_125 = tpu.memref_slice %arg3[%dma_wait3A_119, %dma_wait3A_124] : memref<2x320000xi32, #tpu.memory_space<hbm>> -> memref<1x128xi32, #tpu.memory_space<hbm>>
      %dma_wait3A_126 = tpu.memref_squeeze %dma_wait3A_125 : memref<1x128xi32, #tpu.memory_space<hbm>> -> memref<128xi32, #tpu.memory_space<hbm>>
      %dma_wait3A_127 = arith.constant 0 : i32
      %dma_wait3A_128 = tpu.memref_slice %arg7[%dma_wait3A_120, %dma_wait3A_127] : memref<2x128xi32, #tpu.memory_space<vmem>> -> memref<1x128xi32, #tpu.memory_space<vmem>>
      %dma_wait3A_129 = tpu.memref_squeeze %dma_wait3A_128 : memref<1x128xi32, #tpu.memory_space<vmem>> -> memref<128xi32, #tpu.memory_space<vmem>>
      %dma_wait3A_130 = arith.constant 0 : i32
      %dma_wait3A_131 = tpu.memref_slice %arg3[%dma_wait3A_119, %dma_wait3A_130] : memref<2x320000xi32, #tpu.memory_space<hbm>> -> memref<1x128xi32, #tpu.memory_space<hbm>>
      %dma_wait3A_132 = tpu.memref_squeeze %dma_wait3A_131 : memref<1x128xi32, #tpu.memory_space<hbm>> -> memref<128xi32, #tpu.memory_space<hbm>>
      tpu.wait_dma2 semaphore(%arg12 : memref<!tpu.dma_semaphore, #tpu.memory_space<semaphore_mem>>) src(%dma_wait3A_132 : memref<128xi32, #tpu.memory_space<hbm>>) dst(%dma_wait3A_129 : memref<128xi32, #tpu.memory_space<vmem>>)
      %dma_wait3A_133 = arith.constant 1 : i32
      %dma_wait3A_134 = arith.constant 1 : i32
      %dma_wait3A_135 = arith.constant 0 : i32
      %dma_wait3A_136 = tpu.memref_slice %arg7[%dma_wait3A_134, %dma_wait3A_135] : memref<2x128xi32, #tpu.memory_space<vmem>> -> memref<1x128xi32, #tpu.memory_space<vmem>>
      %dma_wait3A_137 = tpu.memref_squeeze %dma_wait3A_136 : memref<1x128xi32, #tpu.memory_space<vmem>> -> memref<128xi32, #tpu.memory_space<vmem>>
      %dma_wait3A_138 = arith.constant 0 : i32
      %dma_wait3A_139 = tpu.memref_slice %arg3[%dma_wait3A_133, %dma_wait3A_138] : memref<2x320000xi32, #tpu.memory_space<hbm>> -> memref<1x128xi32, #tpu.memory_space<hbm>>
      %dma_wait3A_140 = tpu.memref_squeeze %dma_wait3A_139 : memref<1x128xi32, #tpu.memory_space<hbm>> -> memref<128xi32, #tpu.memory_space<hbm>>
      %dma_wait3A_141 = arith.constant 0 : i32
      %dma_wait3A_142 = tpu.memref_slice %arg7[%dma_wait3A_134, %dma_wait3A_141] : memref<2x128xi32, #tpu.memory_space<vmem>> -> memref<1x128xi32, #tpu.memory_space<vmem>>
      %dma_wait3A_143 = tpu.memref_squeeze %dma_wait3A_142 : memref<1x128xi32, #tpu.memory_space<vmem>> -> memref<128xi32, #tpu.memory_space<vmem>>
      %dma_wait3A_144 = arith.constant 0 : i32
      %dma_wait3A_145 = tpu.memref_slice %arg3[%dma_wait3A_133, %dma_wait3A_144] : memref<2x320000xi32, #tpu.memory_space<hbm>> -> memref<1x128xi32, #tpu.memory_space<hbm>>
      %dma_wait3A_146 = tpu.memref_squeeze %dma_wait3A_145 : memref<1x128xi32, #tpu.memory_space<hbm>> -> memref<128xi32, #tpu.memory_space<hbm>>
      tpu.wait_dma2 semaphore(%arg12 : memref<!tpu.dma_semaphore, #tpu.memory_space<semaphore_mem>>) src(%dma_wait3A_146 : memref<128xi32, #tpu.memory_space<hbm>>) dst(%dma_wait3A_143 : memref<128xi32, #tpu.memory_space<vmem>>)
      %dma_start3A_147 = arith.constant 0 : i32
      %dma_start3A_148 = arith.constant 0 : i32
      %dma_start3A_149 = tpu.memref_slice %arg7[%dma_start3A_147, %dma_start3A_148] : memref<2x128xi32, #tpu.memory_space<vmem>> -> memref<1x128xi32, #tpu.memory_space<vmem>>
      %dma_start3A_150 = tpu.memref_squeeze %dma_start3A_149 : memref<1x128xi32, #tpu.memory_space<vmem>> -> memref<128xi32, #tpu.memory_space<vmem>>
      %dma_start3A_151 = arith.constant 0 : i32
      %dma_start3A_152 = arith.constant 0 : i32
      %dma_start3A_153 = tpu.memref_slice %arg2[%dma_start3A_151, %dma_start3A_152] : memref<10000x128xf32, #tpu.memory_space<hbm>> -> memref<10000x128xf32, #tpu.memory_space<hbm>>
      tpu.enqueue_indirect_dma source(%dma_start3A_153 : memref<10000x128xf32, #tpu.memory_space<hbm>>) target(%arg9 : memref<128x128xf32, #tpu.memory_space<vmem>>) offsets(%dma_start3A_150 : memref<128xi32, #tpu.memory_space<vmem>>) semaphore(%arg13 : memref<!tpu.dma_semaphore, #tpu.memory_space<semaphore_mem>>)
      %dma_wait3A_154 = arith.constant 0 : i32
      %dma_wait3A_155 = arith.constant 0 : i32
      %dma_wait3A_156 = tpu.memref_slice %arg7[%dma_wait3A_154, %dma_wait3A_155] : memref<2x128xi32, #tpu.memory_space<vmem>> -> memref<1x128xi32, #tpu.memory_space<vmem>>
      %dma_wait3A_157 = tpu.memref_squeeze %dma_wait3A_156 : memref<1x128xi32, #tpu.memory_space<vmem>> -> memref<128xi32, #tpu.memory_space<vmem>>
      %dma_wait3A_158 = arith.constant 0 : i32
      %dma_wait3A_159 = arith.constant 0 : i32
      %dma_wait3A_160 = tpu.memref_slice %arg2[%dma_wait3A_158, %dma_wait3A_159] : memref<10000x128xf32, #tpu.memory_space<hbm>> -> memref<10000x128xf32, #tpu.memory_space<hbm>>
      tpu.wait_indirect_dma semaphore(%arg13 : memref<!tpu.dma_semaphore, #tpu.memory_space<semaphore_mem>>) src(%dma_wait3A_160 : memref<10000x128xf32, #tpu.memory_space<hbm>>) dst(%arg9 : memref<128x128xf32, #tpu.memory_space<vmem>>)
      %dma_start3A_161 = arith.constant 1 : i32
      %dma_start3A_162 = arith.constant 0 : i32
      %dma_start3A_163 = tpu.memref_slice %arg7[%dma_start3A_161, %dma_start3A_162] : memref<2x128xi32, #tpu.memory_space<vmem>> -> memref<1x128xi32, #tpu.memory_space<vmem>>
      %dma_start3A_164 = tpu.memref_squeeze %dma_start3A_163 : memref<1x128xi32, #tpu.memory_space<vmem>> -> memref<128xi32, #tpu.memory_space<vmem>>
      %dma_start3A_165 = arith.constant 0 : i32
      %dma_start3A_166 = arith.constant 0 : i32
      %dma_start3A_167 = tpu.memref_slice %arg11[%dma_start3A_165, %dma_start3A_166] : memref<10240x128xf32, #tpu.memory_space<vmem_shared>> -> memref<10240x128xf32, #tpu.memory_space<vmem_shared>>
      tpu.enqueue_indirect_dma source(%arg9 : memref<128x128xf32, #tpu.memory_space<vmem>>) target(%dma_start3A_167 : memref<10240x128xf32, #tpu.memory_space<vmem_shared>>) offsets(%dma_start3A_164 : memref<128xi32, #tpu.memory_space<vmem>>) semaphore(%arg14 : memref<!tpu.dma_semaphore, #tpu.memory_space<semaphore_mem>>) {add = true}
      %gt3A = arith.constant 0 : i32
      %gt3A_168 = arith.cmpi sgt, %while3A_116, %gt3A : i32
      %convert_element_type3A_169 = arith.extui %gt3A_168 : i1 to i32
      %cond3A_170 = arith.constant 0 : i32
      %cond3A_171 = arith.cmpi ne, %convert_element_type3A_169, %cond3A_170 : i32
      scf.if %cond3A_171 {
        %dma_wait3A_260 = arith.constant 1 : i32
        %dma_wait3A_261 = arith.constant 0 : i32
        %dma_wait3A_262 = tpu.memref_slice %arg8[%dma_wait3A_260, %dma_wait3A_261] : memref<2x128xi32, #tpu.memory_space<vmem>> -> memref<1x128xi32, #tpu.memory_space<vmem>>
        %dma_wait3A_263 = tpu.memref_squeeze %dma_wait3A_262 : memref<1x128xi32, #tpu.memory_space<vmem>> -> memref<128xi32, #tpu.memory_space<vmem>>
        %dma_wait3A_264 = arith.constant 0 : i32
        %dma_wait3A_265 = arith.constant 0 : i32
        %dma_wait3A_266 = tpu.memref_slice %arg11[%dma_wait3A_264, %dma_wait3A_265] : memref<10240x128xf32, #tpu.memory_space<vmem_shared>> -> memref<10240x128xf32, #tpu.memory_space<vmem_shared>>
        tpu.wait_indirect_dma semaphore(%arg14 : memref<!tpu.dma_semaphore, #tpu.memory_space<semaphore_mem>>) src(%arg10 : memref<128x128xf32, #tpu.memory_space<vmem>>) dst(%dma_wait3A_266 : memref<10240x128xf32, #tpu.memory_space<vmem_shared>>)
      } else {
      }
      %add3A_172 = arith.constant 1 : i32
      %add3A_173 = arith.addi %mul3A_118, %add3A_172 : i32
      %add3A_174 = arith.addi %select_n3A_8, %add3A_173 : i32
      %mul3A_175 = arith.constant 128 : i32
      %mul3A_176 = arith.muli %add3A_174, %mul3A_175 : i32
      %lt3A_177 = arith.constant 320000 : i32
      %lt3A_178 = arith.cmpi slt, %mul3A_176, %lt3A_177 : i32
      %convert_element_type3A_179 = arith.extui %lt3A_178 : i1 to i32
      %cond3A_180 = arith.constant 0 : i32
      %cond3A_181 = arith.cmpi ne, %convert_element_type3A_179, %cond3A_180 : i32
      scf.if %cond3A_181 {
        %dma_start3A_260 = arith.constant 0 : i32
        %dma_start3A_261 = arith.constant 0 : i32
        %dma_start3A_262 = arith.constant 0 : i32
        %dma_start3A_263 = tpu.memref_slice %arg8[%dma_start3A_261, %dma_start3A_262] : memref<2x128xi32, #tpu.memory_space<vmem>> -> memref<1x128xi32, #tpu.memory_space<vmem>>
        %dma_start3A_264 = tpu.memref_squeeze %dma_start3A_263 : memref<1x128xi32, #tpu.memory_space<vmem>> -> memref<128xi32, #tpu.memory_space<vmem>>
        %dma_start3A_265 = tpu.memref_slice %arg3[%dma_start3A_260, %mul3A_176] : memref<2x320000xi32, #tpu.memory_space<hbm>> -> memref<1x128xi32, #tpu.memory_space<hbm>>
        %dma_start3A_266 = tpu.memref_squeeze %dma_start3A_265 : memref<1x128xi32, #tpu.memory_space<hbm>> -> memref<128xi32, #tpu.memory_space<hbm>>
        %dma_start3A_267 = arith.constant 0 : i32
        %dma_start3A_268 = tpu.memref_slice %arg8[%dma_start3A_261, %dma_start3A_267] : memref<2x128xi32, #tpu.memory_space<vmem>> -> memref<1x128xi32, #tpu.memory_space<vmem>>
        %dma_start3A_269 = tpu.memref_squeeze %dma_start3A_268 : memref<1x128xi32, #tpu.memory_space<vmem>> -> memref<128xi32, #tpu.memory_space<vmem>>
        %dma_start3A_270 = tpu.memref_slice %arg3[%dma_start3A_260, %mul3A_176] : memref<2x320000xi32, #tpu.memory_space<hbm>> -> memref<1x128xi32, #tpu.memory_space<hbm>>
        %dma_start3A_271 = tpu.memref_squeeze %dma_start3A_270 : memref<1x128xi32, #tpu.memory_space<hbm>> -> memref<128xi32, #tpu.memory_space<hbm>>
        tpu.enqueue_dma source(%dma_start3A_271 : memref<128xi32, #tpu.memory_space<hbm>>) target(%dma_start3A_269 : memref<128xi32, #tpu.memory_space<vmem>>) target_semaphore(%arg12 : memref<!tpu.dma_semaphore, #tpu.memory_space<semaphore_mem>>)
        %dma_start3A_272 = arith.constant 1 : i32
        %dma_start3A_273 = arith.constant 1 : i32
        %dma_start3A_274 = arith.constant 0 : i32
        %dma_start3A_275 = tpu.memref_slice %arg8[%dma_start3A_273, %dma_start3A_274] : memref<2x128xi32, #tpu.memory_space<vmem>> -> memref<1x128xi32, #tpu.memory_space<vmem>>
        %dma_start3A_276 = tpu.memref_squeeze %dma_start3A_275 : memref<1x128xi32, #tpu.memory_space<vmem>> -> memref<128xi32, #tpu.memory_space<vmem>>
        %dma_start3A_277 = tpu.memref_slice %arg3[%dma_start3A_272, %mul3A_176] : memref<2x320000xi32, #tpu.memory_space<hbm>> -> memref<1x128xi32, #tpu.memory_space<hbm>>
        %dma_start3A_278 = tpu.memref_squeeze %dma_start3A_277 : memref<1x128xi32, #tpu.memory_space<hbm>> -> memref<128xi32, #tpu.memory_space<hbm>>
        %dma_start3A_279 = arith.constant 0 : i32
        %dma_start3A_280 = tpu.memref_slice %arg8[%dma_start3A_273, %dma_start3A_279] : memref<2x128xi32, #tpu.memory_space<vmem>> -> memref<1x128xi32, #tpu.memory_space<vmem>>
        %dma_start3A_281 = tpu.memref_squeeze %dma_start3A_280 : memref<1x128xi32, #tpu.memory_space<vmem>> -> memref<128xi32, #tpu.memory_space<vmem>>
        %dma_start3A_282 = tpu.memref_slice %arg3[%dma_start3A_272, %mul3A_176] : memref<2x320000xi32, #tpu.memory_space<hbm>> -> memref<1x128xi32, #tpu.memory_space<hbm>>
        %dma_start3A_283 = tpu.memref_squeeze %dma_start3A_282 : memref<1x128xi32, #tpu.memory_space<hbm>> -> memref<128xi32, #tpu.memory_space<hbm>>
        tpu.enqueue_dma source(%dma_start3A_283 : memref<128xi32, #tpu.memory_space<hbm>>) target(%dma_start3A_281 : memref<128xi32, #tpu.memory_space<vmem>>) target_semaphore(%arg12 : memref<!tpu.dma_semaphore, #tpu.memory_space<semaphore_mem>>)
      } else {
      }
      %ge3A_182 = arith.constant 320000 : i32
      %ge3A_183 = arith.cmpi sge, %mul3A_176, %ge3A_182 : i32
      %convert_element_type3A_184 = arith.extui %ge3A_183 : i1 to i32
      %cond3A_185 = arith.constant 0 : i32
      %cond3A_186 = arith.cmpi ne, %convert_element_type3A_184, %cond3A_185 : i32
      scf.if %cond3A_186 {
        %sub3A_260 = arith.constant 320000 : i32
        %sub3A_261 = arith.subi %mul3A_176, %sub3A_260 : i32
        %dma_start3A_262 = arith.constant 0 : i32
        %dma_start3A_263 = arith.constant 0 : i32
        %dma_start3A_264 = arith.constant 0 : i32
        %dma_start3A_265 = tpu.memref_slice %arg8[%dma_start3A_263, %dma_start3A_264] : memref<2x128xi32, #tpu.memory_space<vmem>> -> memref<1x128xi32, #tpu.memory_space<vmem>>
        %dma_start3A_266 = tpu.memref_squeeze %dma_start3A_265 : memref<1x128xi32, #tpu.memory_space<vmem>> -> memref<128xi32, #tpu.memory_space<vmem>>
        %dma_start3A_267 = tpu.memref_slice %arg4[%dma_start3A_262, %sub3A_261] : memref<2x3584xi32, #tpu.memory_space<hbm>> -> memref<1x128xi32, #tpu.memory_space<hbm>>
        %dma_start3A_268 = tpu.memref_squeeze %dma_start3A_267 : memref<1x128xi32, #tpu.memory_space<hbm>> -> memref<128xi32, #tpu.memory_space<hbm>>
        %dma_start3A_269 = arith.constant 0 : i32
        %dma_start3A_270 = tpu.memref_slice %arg8[%dma_start3A_263, %dma_start3A_269] : memref<2x128xi32, #tpu.memory_space<vmem>> -> memref<1x128xi32, #tpu.memory_space<vmem>>
        %dma_start3A_271 = tpu.memref_squeeze %dma_start3A_270 : memref<1x128xi32, #tpu.memory_space<vmem>> -> memref<128xi32, #tpu.memory_space<vmem>>
        %dma_start3A_272 = tpu.memref_slice %arg4[%dma_start3A_262, %sub3A_261] : memref<2x3584xi32, #tpu.memory_space<hbm>> -> memref<1x128xi32, #tpu.memory_space<hbm>>
        %dma_start3A_273 = tpu.memref_squeeze %dma_start3A_272 : memref<1x128xi32, #tpu.memory_space<hbm>> -> memref<128xi32, #tpu.memory_space<hbm>>
        tpu.enqueue_dma source(%dma_start3A_273 : memref<128xi32, #tpu.memory_space<hbm>>) target(%dma_start3A_271 : memref<128xi32, #tpu.memory_space<vmem>>) target_semaphore(%arg12 : memref<!tpu.dma_semaphore, #tpu.memory_space<semaphore_mem>>)
        %dma_start3A_274 = arith.constant 1 : i32
        %dma_start3A_275 = arith.constant 1 : i32
        %dma_start3A_276 = arith.constant 0 : i32
        %dma_start3A_277 = tpu.memref_slice %arg8[%dma_start3A_275, %dma_start3A_276] : memref<2x128xi32, #tpu.memory_space<vmem>> -> memref<1x128xi32, #tpu.memory_space<vmem>>
        %dma_start3A_278 = tpu.memref_squeeze %dma_start3A_277 : memref<1x128xi32, #tpu.memory_space<vmem>> -> memref<128xi32, #tpu.memory_space<vmem>>
        %dma_start3A_279 = tpu.memref_slice %arg4[%dma_start3A_274, %sub3A_261] : memref<2x3584xi32, #tpu.memory_space<hbm>> -> memref<1x128xi32, #tpu.memory_space<hbm>>
        %dma_start3A_280 = tpu.memref_squeeze %dma_start3A_279 : memref<1x128xi32, #tpu.memory_space<hbm>> -> memref<128xi32, #tpu.memory_space<hbm>>
        %dma_start3A_281 = arith.constant 0 : i32
        %dma_start3A_282 = tpu.memref_slice %arg8[%dma_start3A_275, %dma_start3A_281] : memref<2x128xi32, #tpu.memory_space<vmem>> -> memref<1x128xi32, #tpu.memory_space<vmem>>
        %dma_start3A_283 = tpu.memref_squeeze %dma_start3A_282 : memref<1x128xi32, #tpu.memory_space<vmem>> -> memref<128xi32, #tpu.memory_space<vmem>>
        %dma_start3A_284 = tpu.memref_slice %arg4[%dma_start3A_274, %sub3A_261] : memref<2x3584xi32, #tpu.memory_space<hbm>> -> memref<1x128xi32, #tpu.memory_space<hbm>>
        %dma_start3A_285 = tpu.memref_squeeze %dma_start3A_284 : memref<1x128xi32, #tpu.memory_space<hbm>> -> memref<128xi32, #tpu.memory_space<hbm>>
        tpu.enqueue_dma source(%dma_start3A_285 : memref<128xi32, #tpu.memory_space<hbm>>) target(%dma_start3A_283 : memref<128xi32, #tpu.memory_space<vmem>>) target_semaphore(%arg12 : memref<!tpu.dma_semaphore, #tpu.memory_space<semaphore_mem>>)
      } else {
      }
      %dma_wait3A_187 = arith.constant 0 : i32
      %dma_wait3A_188 = arith.constant 0 : i32
      %dma_wait3A_189 = arith.constant 0 : i32
      %dma_wait3A_190 = tpu.memref_slice %arg8[%dma_wait3A_188, %dma_wait3A_189] : memref<2x128xi32, #tpu.memory_space<vmem>> -> memref<1x128xi32, #tpu.memory_space<vmem>>
      %dma_wait3A_191 = tpu.memref_squeeze %dma_wait3A_190 : memref<1x128xi32, #tpu.memory_space<vmem>> -> memref<128xi32, #tpu.memory_space<vmem>>
      %dma_wait3A_192 = arith.constant 0 : i32
      %dma_wait3A_193 = tpu.memref_slice %arg3[%dma_wait3A_187, %dma_wait3A_192] : memref<2x320000xi32, #tpu.memory_space<hbm>> -> memref<1x128xi32, #tpu.memory_space<hbm>>
      %dma_wait3A_194 = tpu.memref_squeeze %dma_wait3A_193 : memref<1x128xi32, #tpu.memory_space<hbm>> -> memref<128xi32, #tpu.memory_space<hbm>>
      %dma_wait3A_195 = arith.constant 0 : i32
      %dma_wait3A_196 = tpu.memref_slice %arg8[%dma_wait3A_188, %dma_wait3A_195] : memref<2x128xi32, #tpu.memory_space<vmem>> -> memref<1x128xi32, #tpu.memory_space<vmem>>
      %dma_wait3A_197 = tpu.memref_squeeze %dma_wait3A_196 : memref<1x128xi32, #tpu.memory_space<vmem>> -> memref<128xi32, #tpu.memory_space<vmem>>
      %dma_wait3A_198 = arith.constant 0 : i32
      %dma_wait3A_199 = tpu.memref_slice %arg3[%dma_wait3A_187, %dma_wait3A_198] : memref<2x320000xi32, #tpu.memory_space<hbm>> -> memref<1x128xi32, #tpu.memory_space<hbm>>
      %dma_wait3A_200 = tpu.memref_squeeze %dma_wait3A_199 : memref<1x128xi32, #tpu.memory_space<hbm>> -> memref<128xi32, #tpu.memory_space<hbm>>
      tpu.wait_dma2 semaphore(%arg12 : memref<!tpu.dma_semaphore, #tpu.memory_space<semaphore_mem>>) src(%dma_wait3A_200 : memref<128xi32, #tpu.memory_space<hbm>>) dst(%dma_wait3A_197 : memref<128xi32, #tpu.memory_space<vmem>>)
      %dma_wait3A_201 = arith.constant 1 : i32
      %dma_wait3A_202 = arith.constant 1 : i32
      %dma_wait3A_203 = arith.constant 0 : i32
      %dma_wait3A_204 = tpu.memref_slice %arg8[%dma_wait3A_202, %dma_wait3A_203] : memref<2x128xi32, #tpu.memory_space<vmem>> -> memref<1x128xi32, #tpu.memory_space<vmem>>
      %dma_wait3A_205 = tpu.memref_squeeze %dma_wait3A_204 : memref<1x128xi32, #tpu.memory_space<vmem>> -> memref<128xi32, #tpu.memory_space<vmem>>
      %dma_wait3A_206 = arith.constant 0 : i32
      %dma_wait3A_207 = tpu.memref_slice %arg3[%dma_wait3A_201, %dma_wait3A_206] : memref<2x320000xi32, #tpu.memory_space<hbm>> -> memref<1x128xi32, #tpu.memory_space<hbm>>
      %dma_wait3A_208 = tpu.memref_squeeze %dma_wait3A_207 : memref<1x128xi32, #tpu.memory_space<hbm>> -> memref<128xi32, #tpu.memory_space<hbm>>
      %dma_wait3A_209 = arith.constant 0 : i32
      %dma_wait3A_210 = tpu.memref_slice %arg8[%dma_wait3A_202, %dma_wait3A_209] : memref<2x128xi32, #tpu.memory_space<vmem>> -> memref<1x128xi32, #tpu.memory_space<vmem>>
      %dma_wait3A_211 = tpu.memref_squeeze %dma_wait3A_210 : memref<1x128xi32, #tpu.memory_space<vmem>> -> memref<128xi32, #tpu.memory_space<vmem>>
      %dma_wait3A_212 = arith.constant 0 : i32
      %dma_wait3A_213 = tpu.memref_slice %arg3[%dma_wait3A_201, %dma_wait3A_212] : memref<2x320000xi32, #tpu.memory_space<hbm>> -> memref<1x128xi32, #tpu.memory_space<hbm>>
      %dma_wait3A_214 = tpu.memref_squeeze %dma_wait3A_213 : memref<1x128xi32, #tpu.memory_space<hbm>> -> memref<128xi32, #tpu.memory_space<hbm>>
      tpu.wait_dma2 semaphore(%arg12 : memref<!tpu.dma_semaphore, #tpu.memory_space<semaphore_mem>>) src(%dma_wait3A_214 : memref<128xi32, #tpu.memory_space<hbm>>) dst(%dma_wait3A_211 : memref<128xi32, #tpu.memory_space<vmem>>)
      %dma_start3A_215 = arith.constant 0 : i32
      %dma_start3A_216 = arith.constant 0 : i32
      %dma_start3A_217 = tpu.memref_slice %arg8[%dma_start3A_215, %dma_start3A_216] : memref<2x128xi32, #tpu.memory_space<vmem>> -> memref<1x128xi32, #tpu.memory_space<vmem>>
      %dma_start3A_218 = tpu.memref_squeeze %dma_start3A_217 : memref<1x128xi32, #tpu.memory_space<vmem>> -> memref<128xi32, #tpu.memory_space<vmem>>
      %dma_start3A_219 = arith.constant 0 : i32
      %dma_start3A_220 = arith.constant 0 : i32
      %dma_start3A_221 = tpu.memref_slice %arg2[%dma_start3A_219, %dma_start3A_220] : memref<10000x128xf32, #tpu.memory_space<hbm>> -> memref<10000x128xf32, #tpu.memory_space<hbm>>
      tpu.enqueue_indirect_dma source(%dma_start3A_221 : memref<10000x128xf32, #tpu.memory_space<hbm>>) target(%arg10 : memref<128x128xf32, #tpu.memory_space<vmem>>) offsets(%dma_start3A_218 : memref<128xi32, #tpu.memory_space<vmem>>) semaphore(%arg13 : memref<!tpu.dma_semaphore, #tpu.memory_space<semaphore_mem>>)
      %dma_wait3A_222 = arith.constant 0 : i32
      %dma_wait3A_223 = arith.constant 0 : i32
      %dma_wait3A_224 = tpu.memref_slice %arg8[%dma_wait3A_222, %dma_wait3A_223] : memref<2x128xi32, #tpu.memory_space<vmem>> -> memref<1x128xi32, #tpu.memory_space<vmem>>
      %dma_wait3A_225 = tpu.memref_squeeze %dma_wait3A_224 : memref<1x128xi32, #tpu.memory_space<vmem>> -> memref<128xi32, #tpu.memory_space<vmem>>
      %dma_wait3A_226 = arith.constant 0 : i32
      %dma_wait3A_227 = arith.constant 0 : i32
      %dma_wait3A_228 = tpu.memref_slice %arg2[%dma_wait3A_226, %dma_wait3A_227] : memref<10000x128xf32, #tpu.memory_space<hbm>> -> memref<10000x128xf32, #tpu.memory_space<hbm>>
      tpu.wait_indirect_dma semaphore(%arg13 : memref<!tpu.dma_semaphore, #tpu.memory_space<semaphore_mem>>) src(%dma_wait3A_228 : memref<10000x128xf32, #tpu.memory_space<hbm>>) dst(%arg10 : memref<128x128xf32, #tpu.memory_space<vmem>>)
      %dma_start3A_229 = arith.constant 1 : i32
      %dma_start3A_230 = arith.constant 0 : i32
      %dma_start3A_231 = tpu.memref_slice %arg8[%dma_start3A_229, %dma_start3A_230] : memref<2x128xi32, #tpu.memory_space<vmem>> -> memref<1x128xi32, #tpu.memory_space<vmem>>
      %dma_start3A_232 = tpu.memref_squeeze %dma_start3A_231 : memref<1x128xi32, #tpu.memory_space<vmem>> -> memref<128xi32, #tpu.memory_space<vmem>>
      %dma_start3A_233 = arith.constant 0 : i32
      %dma_start3A_234 = arith.constant 0 : i32
      %dma_start3A_235 = tpu.memref_slice %arg11[%dma_start3A_233, %dma_start3A_234] : memref<10240x128xf32, #tpu.memory_space<vmem_shared>> -> memref<10240x128xf32, #tpu.memory_space<vmem_shared>>
      tpu.enqueue_indirect_dma source(%arg10 : memref<128x128xf32, #tpu.memory_space<vmem>>) target(%dma_start3A_235 : memref<10240x128xf32, #tpu.memory_space<vmem_shared>>) offsets(%dma_start3A_232 : memref<128xi32, #tpu.memory_space<vmem>>) semaphore(%arg14 : memref<!tpu.dma_semaphore, #tpu.memory_space<semaphore_mem>>) {add = true}
      %dma_wait3A_236 = arith.constant 1 : i32
      %dma_wait3A_237 = arith.constant 0 : i32
      %dma_wait3A_238 = tpu.memref_slice %arg7[%dma_wait3A_236, %dma_wait3A_237] : memref<2x128xi32, #tpu.memory_space<vmem>> -> memref<1x128xi32, #tpu.memory_space<vmem>>
      %dma_wait3A_239 = tpu.memref_squeeze %dma_wait3A_238 : memref<1x128xi32, #tpu.memory_space<vmem>> -> memref<128xi32, #tpu.memory_space<vmem>>
      %dma_wait3A_240 = arith.constant 0 : i32
      %dma_wait3A_241 = arith.constant 0 : i32
      %dma_wait3A_242 = tpu.memref_slice %arg11[%dma_wait3A_240, %dma_wait3A_241] : memref<10240x128xf32, #tpu.memory_space<vmem_shared>> -> memref<10240x128xf32, #tpu.memory_space<vmem_shared>>
      tpu.wait_indirect_dma semaphore(%arg14 : memref<!tpu.dma_semaphore, #tpu.memory_space<semaphore_mem>>) src(%arg9 : memref<128x128xf32, #tpu.memory_space<vmem>>) dst(%dma_wait3A_242 : memref<10240x128xf32, #tpu.memory_space<vmem_shared>>)
      %add3A_243 = arith.constant 2 : i32
      %add3A_244 = arith.addi %mul3A_118, %add3A_243 : i32
      %sub3A_245 = arith.constant 1 : i32
      %sub3A_246 = arith.subi %select_n3A, %sub3A_245 : i32
      %min3A = arith.minsi %add3A_244, %sub3A_246 : i32
      %add3A_247 = arith.addi %select_n3A_8, %min3A : i32
      %mul3A_248 = arith.constant 128 : i32
      %mul3A_249 = arith.muli %add3A_247, %mul3A_248 : i32
      %lt3A_250 = arith.constant 320000 : i32
      %lt3A_251 = arith.cmpi slt, %mul3A_249, %lt3A_250 : i32
      %convert_element_type3A_252 = arith.extui %lt3A_251 : i1 to i32
      %cond3A_253 = arith.constant 0 : i32
      %cond3A_254 = arith.cmpi ne, %convert_element_type3A_252, %cond3A_253 : i32
      scf.if %cond3A_254 {
        %dma_start3A_260 = arith.constant 0 : i32
        %dma_start3A_261 = arith.constant 0 : i32
        %dma_start3A_262 = arith.constant 0 : i32
        %dma_start3A_263 = tpu.memref_slice %arg7[%dma_start3A_261, %dma_start3A_262] : memref<2x128xi32, #tpu.memory_space<vmem>> -> memref<1x128xi32, #tpu.memory_space<vmem>>
        %dma_start3A_264 = tpu.memref_squeeze %dma_start3A_263 : memref<1x128xi32, #tpu.memory_space<vmem>> -> memref<128xi32, #tpu.memory_space<vmem>>
        %dma_start3A_265 = tpu.memref_slice %arg3[%dma_start3A_260, %mul3A_249] : memref<2x320000xi32, #tpu.memory_space<hbm>> -> memref<1x128xi32, #tpu.memory_space<hbm>>
        %dma_start3A_266 = tpu.memref_squeeze %dma_start3A_265 : memref<1x128xi32, #tpu.memory_space<hbm>> -> memref<128xi32, #tpu.memory_space<hbm>>
        %dma_start3A_267 = arith.constant 0 : i32
        %dma_start3A_268 = tpu.memref_slice %arg7[%dma_start3A_261, %dma_start3A_267] : memref<2x128xi32, #tpu.memory_space<vmem>> -> memref<1x128xi32, #tpu.memory_space<vmem>>
        %dma_start3A_269 = tpu.memref_squeeze %dma_start3A_268 : memref<1x128xi32, #tpu.memory_space<vmem>> -> memref<128xi32, #tpu.memory_space<vmem>>
        %dma_start3A_270 = tpu.memref_slice %arg3[%dma_start3A_260, %mul3A_249] : memref<2x320000xi32, #tpu.memory_space<hbm>> -> memref<1x128xi32, #tpu.memory_space<hbm>>
        %dma_start3A_271 = tpu.memref_squeeze %dma_start3A_270 : memref<1x128xi32, #tpu.memory_space<hbm>> -> memref<128xi32, #tpu.memory_space<hbm>>
        tpu.enqueue_dma source(%dma_start3A_271 : memref<128xi32, #tpu.memory_space<hbm>>) target(%dma_start3A_269 : memref<128xi32, #tpu.memory_space<vmem>>) target_semaphore(%arg12 : memref<!tpu.dma_semaphore, #tpu.memory_space<semaphore_mem>>)
        %dma_start3A_272 = arith.constant 1 : i32
        %dma_start3A_273 = arith.constant 1 : i32
        %dma_start3A_274 = arith.constant 0 : i32
        %dma_start3A_275 = tpu.memref_slice %arg7[%dma_start3A_273, %dma_start3A_274] : memref<2x128xi32, #tpu.memory_space<vmem>> -> memref<1x128xi32, #tpu.memory_space<vmem>>
        %dma_start3A_276 = tpu.memref_squeeze %dma_start3A_275 : memref<1x128xi32, #tpu.memory_space<vmem>> -> memref<128xi32, #tpu.memory_space<vmem>>
        %dma_start3A_277 = tpu.memref_slice %arg3[%dma_start3A_272, %mul3A_249] : memref<2x320000xi32, #tpu.memory_space<hbm>> -> memref<1x128xi32, #tpu.memory_space<hbm>>
        %dma_start3A_278 = tpu.memref_squeeze %dma_start3A_277 : memref<1x128xi32, #tpu.memory_space<hbm>> -> memref<128xi32, #tpu.memory_space<hbm>>
        %dma_start3A_279 = arith.constant 0 : i32
        %dma_start3A_280 = tpu.memref_slice %arg7[%dma_start3A_273, %dma_start3A_279] : memref<2x128xi32, #tpu.memory_space<vmem>> -> memref<1x128xi32, #tpu.memory_space<vmem>>
        %dma_start3A_281 = tpu.memref_squeeze %dma_start3A_280 : memref<1x128xi32, #tpu.memory_space<vmem>> -> memref<128xi32, #tpu.memory_space<vmem>>
        %dma_start3A_282 = tpu.memref_slice %arg3[%dma_start3A_272, %mul3A_249] : memref<2x320000xi32, #tpu.memory_space<hbm>> -> memref<1x128xi32, #tpu.memory_space<hbm>>
        %dma_start3A_283 = tpu.memref_squeeze %dma_start3A_282 : memref<1x128xi32, #tpu.memory_space<hbm>> -> memref<128xi32, #tpu.memory_space<hbm>>
        tpu.enqueue_dma source(%dma_start3A_283 : memref<128xi32, #tpu.memory_space<hbm>>) target(%dma_start3A_281 : memref<128xi32, #tpu.memory_space<vmem>>) target_semaphore(%arg12 : memref<!tpu.dma_semaphore, #tpu.memory_space<semaphore_mem>>)
      } else {
      }
      %ge3A_255 = arith.constant 320000 : i32
      %ge3A_256 = arith.cmpi sge, %mul3A_249, %ge3A_255 : i32
      %convert_element_type3A_257 = arith.extui %ge3A_256 : i1 to i32
      %cond3A_258 = arith.constant 0 : i32
      %cond3A_259 = arith.cmpi ne, %convert_element_type3A_257, %cond3A_258 : i32
      scf.if %cond3A_259 {
        %sub3A_260 = arith.constant 320000 : i32
        %sub3A_261 = arith.subi %mul3A_249, %sub3A_260 : i32
        %dma_start3A_262 = arith.constant 0 : i32
        %dma_start3A_263 = arith.constant 0 : i32
        %dma_start3A_264 = arith.constant 0 : i32
        %dma_start3A_265 = tpu.memref_slice %arg7[%dma_start3A_263, %dma_start3A_264] : memref<2x128xi32, #tpu.memory_space<vmem>> -> memref<1x128xi32, #tpu.memory_space<vmem>>
        %dma_start3A_266 = tpu.memref_squeeze %dma_start3A_265 : memref<1x128xi32, #tpu.memory_space<vmem>> -> memref<128xi32, #tpu.memory_space<vmem>>
        %dma_start3A_267 = tpu.memref_slice %arg4[%dma_start3A_262, %sub3A_261] : memref<2x3584xi32, #tpu.memory_space<hbm>> -> memref<1x128xi32, #tpu.memory_space<hbm>>
        %dma_start3A_268 = tpu.memref_squeeze %dma_start3A_267 : memref<1x128xi32, #tpu.memory_space<hbm>> -> memref<128xi32, #tpu.memory_space<hbm>>
        %dma_start3A_269 = arith.constant 0 : i32
        %dma_start3A_270 = tpu.memref_slice %arg7[%dma_start3A_263, %dma_start3A_269] : memref<2x128xi32, #tpu.memory_space<vmem>> -> memref<1x128xi32, #tpu.memory_space<vmem>>
        %dma_start3A_271 = tpu.memref_squeeze %dma_start3A_270 : memref<1x128xi32, #tpu.memory_space<vmem>> -> memref<128xi32, #tpu.memory_space<vmem>>
        %dma_start3A_272 = tpu.memref_slice %arg4[%dma_start3A_262, %sub3A_261] : memref<2x3584xi32, #tpu.memory_space<hbm>> -> memref<1x128xi32, #tpu.memory_space<hbm>>
        %dma_start3A_273 = tpu.memref_squeeze %dma_start3A_272 : memref<1x128xi32, #tpu.memory_space<hbm>> -> memref<128xi32, #tpu.memory_space<hbm>>
        tpu.enqueue_dma source(%dma_start3A_273 : memref<128xi32, #tpu.memory_space<hbm>>) target(%dma_start3A_271 : memref<128xi32, #tpu.memory_space<vmem>>) target_semaphore(%arg12 : memref<!tpu.dma_semaphore, #tpu.memory_space<semaphore_mem>>)
        %dma_start3A_274 = arith.constant 1 : i32
        %dma_start3A_275 = arith.constant 1 : i32
        %dma_start3A_276 = arith.constant 0 : i32
        %dma_start3A_277 = tpu.memref_slice %arg7[%dma_start3A_275, %dma_start3A_276] : memref<2x128xi32, #tpu.memory_space<vmem>> -> memref<1x128xi32, #tpu.memory_space<vmem>>
        %dma_start3A_278 = tpu.memref_squeeze %dma_start3A_277 : memref<1x128xi32, #tpu.memory_space<vmem>> -> memref<128xi32, #tpu.memory_space<vmem>>
        %dma_start3A_279 = tpu.memref_slice %arg4[%dma_start3A_274, %sub3A_261] : memref<2x3584xi32, #tpu.memory_space<hbm>> -> memref<1x128xi32, #tpu.memory_space<hbm>>
        %dma_start3A_280 = tpu.memref_squeeze %dma_start3A_279 : memref<1x128xi32, #tpu.memory_space<hbm>> -> memref<128xi32, #tpu.memory_space<hbm>>
        %dma_start3A_281 = arith.constant 0 : i32
        %dma_start3A_282 = tpu.memref_slice %arg7[%dma_start3A_275, %dma_start3A_281] : memref<2x128xi32, #tpu.memory_space<vmem>> -> memref<1x128xi32, #tpu.memory_space<vmem>>
        %dma_start3A_283 = tpu.memref_squeeze %dma_start3A_282 : memref<1x128xi32, #tpu.memory_space<vmem>> -> memref<128xi32, #tpu.memory_space<vmem>>
        %dma_start3A_284 = tpu.memref_slice %arg4[%dma_start3A_274, %sub3A_261] : memref<2x3584xi32, #tpu.memory_space<hbm>> -> memref<1x128xi32, #tpu.memory_space<hbm>>
        %dma_start3A_285 = tpu.memref_squeeze %dma_start3A_284 : memref<1x128xi32, #tpu.memory_space<hbm>> -> memref<128xi32, #tpu.memory_space<hbm>>
        tpu.enqueue_dma source(%dma_start3A_285 : memref<128xi32, #tpu.memory_space<hbm>>) target(%dma_start3A_283 : memref<128xi32, #tpu.memory_space<vmem>>) target_semaphore(%arg12 : memref<!tpu.dma_semaphore, #tpu.memory_space<semaphore_mem>>)
      } else {
      }
    }
    %dma_wait3A = arith.constant 0 : i32
    %dma_wait3A_50 = arith.constant 0 : i32
    %dma_wait3A_51 = arith.constant 0 : i32
    %dma_wait3A_52 = tpu.memref_slice %arg7[%dma_wait3A_50, %dma_wait3A_51] : memref<2x128xi32, #tpu.memory_space<vmem>> -> memref<1x128xi32, #tpu.memory_space<vmem>>
    %dma_wait3A_53 = tpu.memref_squeeze %dma_wait3A_52 : memref<1x128xi32, #tpu.memory_space<vmem>> -> memref<128xi32, #tpu.memory_space<vmem>>
    %dma_wait3A_54 = arith.constant 0 : i32
    %dma_wait3A_55 = tpu.memref_slice %arg3[%dma_wait3A, %dma_wait3A_54] : memref<2x320000xi32, #tpu.memory_space<hbm>> -> memref<1x128xi32, #tpu.memory_space<hbm>>
    %dma_wait3A_56 = tpu.memref_squeeze %dma_wait3A_55 : memref<1x128xi32, #tpu.memory_space<hbm>> -> memref<128xi32, #tpu.memory_space<hbm>>
    %dma_wait3A_57 = arith.constant 0 : i32
    %dma_wait3A_58 = tpu.memref_slice %arg7[%dma_wait3A_50, %dma_wait3A_57] : memref<2x128xi32, #tpu.memory_space<vmem>> -> memref<1x128xi32, #tpu.memory_space<vmem>>
    %dma_wait3A_59 = tpu.memref_squeeze %dma_wait3A_58 : memref<1x128xi32, #tpu.memory_space<vmem>> -> memref<128xi32, #tpu.memory_space<vmem>>
    %dma_wait3A_60 = arith.constant 0 : i32
    %dma_wait3A_61 = tpu.memref_slice %arg3[%dma_wait3A, %dma_wait3A_60] : memref<2x320000xi32, #tpu.memory_space<hbm>> -> memref<1x128xi32, #tpu.memory_space<hbm>>
    %dma_wait3A_62 = tpu.memref_squeeze %dma_wait3A_61 : memref<1x128xi32, #tpu.memory_space<hbm>> -> memref<128xi32, #tpu.memory_space<hbm>>
    tpu.wait_dma2 semaphore(%arg12 : memref<!tpu.dma_semaphore, #tpu.memory_space<semaphore_mem>>) src(%dma_wait3A_62 : memref<128xi32, #tpu.memory_space<hbm>>) dst(%dma_wait3A_59 : memref<128xi32, #tpu.memory_space<vmem>>)
    %dma_wait3A_63 = arith.constant 1 : i32
    %dma_wait3A_64 = arith.constant 1 : i32
    %dma_wait3A_65 = arith.constant 0 : i32
    %dma_wait3A_66 = tpu.memref_slice %arg7[%dma_wait3A_64, %dma_wait3A_65] : memref<2x128xi32, #tpu.memory_space<vmem>> -> memref<1x128xi32, #tpu.memory_space<vmem>>
    %dma_wait3A_67 = tpu.memref_squeeze %dma_wait3A_66 : memref<1x128xi32, #tpu.memory_space<vmem>> -> memref<128xi32, #tpu.memory_space<vmem>>
    %dma_wait3A_68 = arith.constant 0 : i32
    %dma_wait3A_69 = tpu.memref_slice %arg3[%dma_wait3A_63, %dma_wait3A_68] : memref<2x320000xi32, #tpu.memory_space<hbm>> -> memref<1x128xi32, #tpu.memory_space<hbm>>
    %dma_wait3A_70 = tpu.memref_squeeze %dma_wait3A_69 : memref<1x128xi32, #tpu.memory_space<hbm>> -> memref<128xi32, #tpu.memory_space<hbm>>
    %dma_wait3A_71 = arith.constant 0 : i32
    %dma_wait3A_72 = tpu.memref_slice %arg7[%dma_wait3A_64, %dma_wait3A_71] : memref<2x128xi32, #tpu.memory_space<vmem>> -> memref<1x128xi32, #tpu.memory_space<vmem>>
    %dma_wait3A_73 = tpu.memref_squeeze %dma_wait3A_72 : memref<1x128xi32, #tpu.memory_space<vmem>> -> memref<128xi32, #tpu.memory_space<vmem>>
    %dma_wait3A_74 = arith.constant 0 : i32
    %dma_wait3A_75 = tpu.memref_slice %arg3[%dma_wait3A_63, %dma_wait3A_74] : memref<2x320000xi32, #tpu.memory_space<hbm>> -> memref<1x128xi32, #tpu.memory_space<hbm>>
    %dma_wait3A_76 = tpu.memref_squeeze %dma_wait3A_75 : memref<1x128xi32, #tpu.memory_space<hbm>> -> memref<128xi32, #tpu.memory_space<hbm>>
    tpu.wait_dma2 semaphore(%arg12 : memref<!tpu.dma_semaphore, #tpu.memory_space<semaphore_mem>>) src(%dma_wait3A_76 : memref<128xi32, #tpu.memory_space<hbm>>) dst(%dma_wait3A_73 : memref<128xi32, #tpu.memory_space<vmem>>)
    %dma_start3A = arith.constant 0 : i32
    %dma_start3A_77 = arith.constant 0 : i32
    %dma_start3A_78 = tpu.memref_slice %arg7[%dma_start3A, %dma_start3A_77] : memref<2x128xi32, #tpu.memory_space<vmem>> -> memref<1x128xi32, #tpu.memory_space<vmem>>
    %dma_start3A_79 = tpu.memref_squeeze %dma_start3A_78 : memref<1x128xi32, #tpu.memory_space<vmem>> -> memref<128xi32, #tpu.memory_space<vmem>>
    %dma_start3A_80 = arith.constant 0 : i32
    %dma_start3A_81 = arith.constant 0 : i32
    %dma_start3A_82 = tpu.memref_slice %arg2[%dma_start3A_80, %dma_start3A_81] : memref<10000x128xf32, #tpu.memory_space<hbm>> -> memref<10000x128xf32, #tpu.memory_space<hbm>>
    tpu.enqueue_indirect_dma source(%dma_start3A_82 : memref<10000x128xf32, #tpu.memory_space<hbm>>) target(%arg9 : memref<128x128xf32, #tpu.memory_space<vmem>>) offsets(%dma_start3A_79 : memref<128xi32, #tpu.memory_space<vmem>>) semaphore(%arg13 : memref<!tpu.dma_semaphore, #tpu.memory_space<semaphore_mem>>)
    %dma_wait3A_83 = arith.constant 0 : i32
    %dma_wait3A_84 = arith.constant 0 : i32
    %dma_wait3A_85 = tpu.memref_slice %arg7[%dma_wait3A_83, %dma_wait3A_84] : memref<2x128xi32, #tpu.memory_space<vmem>> -> memref<1x128xi32, #tpu.memory_space<vmem>>
    %dma_wait3A_86 = tpu.memref_squeeze %dma_wait3A_85 : memref<1x128xi32, #tpu.memory_space<vmem>> -> memref<128xi32, #tpu.memory_space<vmem>>
    %dma_wait3A_87 = arith.constant 0 : i32
    %dma_wait3A_88 = arith.constant 0 : i32
    %dma_wait3A_89 = tpu.memref_slice %arg2[%dma_wait3A_87, %dma_wait3A_88] : memref<10000x128xf32, #tpu.memory_space<hbm>> -> memref<10000x128xf32, #tpu.memory_space<hbm>>
    tpu.wait_indirect_dma semaphore(%arg13 : memref<!tpu.dma_semaphore, #tpu.memory_space<semaphore_mem>>) src(%dma_wait3A_89 : memref<10000x128xf32, #tpu.memory_space<hbm>>) dst(%arg9 : memref<128x128xf32, #tpu.memory_space<vmem>>)
    %dma_start3A_90 = arith.constant 1 : i32
    %dma_start3A_91 = arith.constant 0 : i32
    %dma_start3A_92 = tpu.memref_slice %arg7[%dma_start3A_90, %dma_start3A_91] : memref<2x128xi32, #tpu.memory_space<vmem>> -> memref<1x128xi32, #tpu.memory_space<vmem>>
    %dma_start3A_93 = tpu.memref_squeeze %dma_start3A_92 : memref<1x128xi32, #tpu.memory_space<vmem>> -> memref<128xi32, #tpu.memory_space<vmem>>
    %dma_start3A_94 = arith.constant 0 : i32
    %dma_start3A_95 = arith.constant 0 : i32
    %dma_start3A_96 = tpu.memref_slice %arg11[%dma_start3A_94, %dma_start3A_95] : memref<10240x128xf32, #tpu.memory_space<vmem_shared>> -> memref<10240x128xf32, #tpu.memory_space<vmem_shared>>
    tpu.enqueue_indirect_dma source(%arg9 : memref<128x128xf32, #tpu.memory_space<vmem>>) target(%dma_start3A_96 : memref<10240x128xf32, #tpu.memory_space<vmem_shared>>) offsets(%dma_start3A_93 : memref<128xi32, #tpu.memory_space<vmem>>) semaphore(%arg14 : memref<!tpu.dma_semaphore, #tpu.memory_space<semaphore_mem>>) {add = true}
    %dma_wait3A_97 = arith.constant 1 : i32
    %dma_wait3A_98 = arith.constant 0 : i32
    %dma_wait3A_99 = tpu.memref_slice %arg8[%dma_wait3A_97, %dma_wait3A_98] : memref<2x128xi32, #tpu.memory_space<vmem>> -> memref<1x128xi32, #tpu.memory_space<vmem>>
    %dma_wait3A_100 = tpu.memref_squeeze %dma_wait3A_99 : memref<1x128xi32, #tpu.memory_space<vmem>> -> memref<128xi32, #tpu.memory_space<vmem>>
    %dma_wait3A_101 = arith.constant 0 : i32
    %dma_wait3A_102 = arith.constant 0 : i32
    %dma_wait3A_103 = tpu.memref_slice %arg11[%dma_wait3A_101, %dma_wait3A_102] : memref<10240x128xf32, #tpu.memory_space<vmem_shared>> -> memref<10240x128xf32, #tpu.memory_space<vmem_shared>>
    tpu.wait_indirect_dma semaphore(%arg14 : memref<!tpu.dma_semaphore, #tpu.memory_space<semaphore_mem>>) src(%arg10 : memref<128x128xf32, #tpu.memory_space<vmem>>) dst(%dma_wait3A_103 : memref<10240x128xf32, #tpu.memory_space<vmem_shared>>)
    %dma_wait3A_104 = arith.constant 1 : i32
    %dma_wait3A_105 = arith.constant 0 : i32
    %dma_wait3A_106 = tpu.memref_slice %arg7[%dma_wait3A_104, %dma_wait3A_105] : memref<2x128xi32, #tpu.memory_space<vmem>> -> memref<1x128xi32, #tpu.memory_space<vmem>>
    %dma_wait3A_107 = tpu.memref_squeeze %dma_wait3A_106 : memref<1x128xi32, #tpu.memory_space<vmem>> -> memref<128xi32, #tpu.memory_space<vmem>>
    %dma_wait3A_108 = arith.constant 0 : i32
    %dma_wait3A_109 = arith.constant 0 : i32
    %dma_wait3A_110 = tpu.memref_slice %arg11[%dma_wait3A_108, %dma_wait3A_109] : memref<10240x128xf32, #tpu.memory_space<vmem_shared>> -> memref<10240x128xf32, #tpu.memory_space<vmem_shared>>
    tpu.wait_indirect_dma semaphore(%arg14 : memref<!tpu.dma_semaphore, #tpu.memory_space<semaphore_mem>>) src(%arg9 : memref<128x128xf32, #tpu.memory_space<vmem>>) dst(%dma_wait3A_110 : memref<10240x128xf32, #tpu.memory_space<vmem_shared>>)
    %barrier3A_111 = arith.constant 0 : index
    tpu.barrier barrier_id(%barrier3A_111)
    %mul3A_112 = arith.constant 640 : i32
    %mul3A_113 = arith.muli %arg1, %mul3A_112 : i32
    %mul3A_114 = arith.constant 640 : i32
    %mul3A_115 = arith.muli %arg1, %mul3A_114 : i32
    "tpu.region"() ({
      %run_scoped3A = tpu.sem_alloc : memref<!tpu.dma_semaphore, #tpu.memory_space<semaphore_mem>>
      %dma_start3A_116 = arith.constant 0 : i32
      %dma_start3A_117 = tpu.memref_slice %arg6[%arg0, %mul3A_115, %dma_start3A_116] : memref<2x10240x128xf32, #tpu.memory_space<hbm>> -> memref<1x640x128xf32, #tpu.memory_space<hbm>>
      %dma_start3A_118 = tpu.memref_squeeze %dma_start3A_117 : memref<1x640x128xf32, #tpu.memory_space<hbm>> -> memref<640x128xf32, #tpu.memory_space<hbm>>
      %dma_start3A_119 = arith.constant 0 : i32
      %dma_start3A_120 = tpu.memref_slice %arg11[%mul3A_113, %dma_start3A_119] : memref<10240x128xf32, #tpu.memory_space<vmem_shared>> -> memref<640x128xf32, #tpu.memory_space<vmem_shared>>
      tpu.enqueue_dma source(%dma_start3A_120 : memref<640x128xf32, #tpu.memory_space<vmem_shared>>) target(%dma_start3A_118 : memref<640x128xf32, #tpu.memory_space<hbm>>) target_semaphore(%run_scoped3A : memref<!tpu.dma_semaphore, #tpu.memory_space<semaphore_mem>>)
      %dma_wait3A_121 = arith.constant 0 : i32
      %dma_wait3A_122 = tpu.memref_slice %arg6[%arg0, %mul3A_115, %dma_wait3A_121] : memref<2x10240x128xf32, #tpu.memory_space<hbm>> -> memref<1x640x128xf32, #tpu.memory_space<hbm>>
      %dma_wait3A_123 = tpu.memref_squeeze %dma_wait3A_122 : memref<1x640x128xf32, #tpu.memory_space<hbm>> -> memref<640x128xf32, #tpu.memory_space<hbm>>
      %dma_wait3A_124 = arith.constant 0 : i32
      %dma_wait3A_125 = tpu.memref_slice %arg11[%mul3A_113, %dma_wait3A_124] : memref<10240x128xf32, #tpu.memory_space<vmem_shared>> -> memref<640x128xf32, #tpu.memory_space<vmem_shared>>
      tpu.wait_dma2 semaphore(%run_scoped3A : memref<!tpu.dma_semaphore, #tpu.memory_space<semaphore_mem>>) src(%dma_wait3A_125 : memref<640x128xf32, #tpu.memory_space<vmem_shared>>) dst(%dma_wait3A_123 : memref<640x128xf32, #tpu.memory_space<hbm>>)
      tpu.yield
    }) : () -> ()
    return
  }
}

module attributes {stable_mosaic.version = 14 : i64} {
  func.func @body(%arg0: i32, %arg1: memref<2x1000x128xf32, #tpu.memory_space<vmem>>, %arg2: memref<128x128xf32, #tpu.memory_space<vmem>>, %arg3: memref<1x128xf32, #tpu.memory_space<vmem>>, %arg4: memref<1000x128xf32, #tpu.memory_space<vmem>>) attributes {dimension_semantics = [#tpu.dimension_semantics<arbitrary>], iteration_bounds = array<i64: 10>, scalar_prefetch = 0 : i64, scratch_operands = 0 : i64, tpu.core_type = #tpu.core_type<tc>, window_params = [{transform_indices = @transform_0, window_bounds = array<i64: 2, 1000, 128>}, {pipeline_mode = #tpu.pipeline_mode<synchronous>, transform_indices = @transform_1, window_bounds = array<i64: 128, 128>}, {pipeline_mode = #tpu.pipeline_mode<synchronous>, transform_indices = @transform_2, window_bounds = array<i64: 1, 128>}, {transform_indices = @transform_3, window_bounds = array<i64: 1000, 128>}]} {
    %get3A = arith.constant 0 : index
    %get3A_0 = arith.constant 0 : index
    %get3A_1 = arith.constant 0 : index
    %get3A_2 = vector.load %arg1[%get3A, %get3A_0, %get3A_1] : memref<2x1000x128xf32, #tpu.memory_space<vmem>>, vector<1x1000x128xf32>
    %get3A_3 = vector.shape_cast %get3A_2 : vector<1x1000x128xf32> to vector<1000x128xf32>
    %get3A_4 = arith.constant 1 : index
    %get3A_5 = arith.constant 0 : index
    %get3A_6 = arith.constant 0 : index
    %get3A_7 = vector.load %arg1[%get3A_4, %get3A_5, %get3A_6] : memref<2x1000x128xf32, #tpu.memory_space<vmem>>, vector<1x1000x128xf32>
    %get3A_8 = vector.shape_cast %get3A_7 : vector<1x1000x128xf32> to vector<1000x128xf32>
    %add3A = arith.addf %get3A_3, %get3A_8 : vector<1000x128xf32>
    %get3A_9 = arith.constant 0 : index
    %get3A_10 = arith.constant 0 : index
    %get3A_11 = vector.load %arg2[%get3A_9, %get3A_10] : memref<128x128xf32, #tpu.memory_space<vmem>>, vector<128x128xf32>
    %dot_general3A = arith.constant dense<0.000000e+00> : vector<1000x128xf32>
    %dot_general3A_12 = tpu.matmul %add3A, %get3A_11, %dot_general3A {dimension_numbers = #tpu.dot_dimension_numbers<[1], [1], [0], [0], [0, 0, 1, 0], [], []>, precision = #tpu.contract_precision<fp32>, transpose_lhs_hint = false} : vector<1000x128xf32>, vector<128x128xf32>, vector<1000x128xf32> -> vector<1000x128xf32>
    %get3A_13 = arith.constant 0 : index
    %get3A_14 = arith.constant 0 : index
    %get3A_15 = vector.load %arg3[%get3A_13, %get3A_14] : memref<1x128xf32, #tpu.memory_space<vmem>>, vector<1x128xf32>
    %add3A_16 = vector.broadcast %get3A_15 : vector<1x128xf32> to vector<1000x128xf32>
    %add3A_17 = arith.addf %dot_general3A_12, %add3A_16 : vector<1000x128xf32>
    %swap3A = arith.constant 0 : index
    %swap3A_18 = arith.constant 0 : index
    %swap3A_19 = vector.load %arg4[%swap3A, %swap3A_18] : memref<1000x128xf32, #tpu.memory_space<vmem>>, vector<1000x128xf32>
    tpu.vector_store %arg4[%swap3A, %swap3A_18], %add3A_17 {strides = array<i32>} : memref<1000x128xf32, #tpu.memory_space<vmem>>, vector<1000x128xf32>,
    return
  }
  func.func @transform_0(%arg0: i32) -> (i32, i32, i32) {
    %c0_i32 = arith.constant 0 : i32
    %c0_i32_0 = arith.constant 0 : i32
    %c0_i32_1 = arith.constant 0 : i32
    return %c0_i32, %arg0, %c0_i32_0 : i32, i32, i32
  }
  func.func @transform_1(%arg0: i32) -> (i32, i32) {
    %c0_i32 = arith.constant 0 : i32
    %c0_i32_0 = arith.constant 0 : i32
    %c0_i32_1 = arith.constant 0 : i32
    return %c0_i32, %c0_i32_0 : i32, i32
  }
  func.func @transform_2(%arg0: i32) -> (i32, i32) {
    %c0_i32 = arith.constant 0 : i32
    %c0_i32_0 = arith.constant 0 : i32
    %c0_i32_1 = arith.constant 0 : i32
    return %c0_i32, %c0_i32_0 : i32, i32
  }
  func.func @transform_3(%arg0: i32) -> (i32, i32) {
    %c0_i32 = arith.constant 0 : i32
    %c0_i32_0 = arith.constant 0 : i32
    return %arg0, %c0_i32 : i32, i32
  }
}

</mosaic_0001>

<sc_bundles>
// kernel: kernel.4.cloned.1.call-start
scs
__scs_entry_jumppad:
0x0: {  	(pc) =	sbr.rel $0x88, $3  }
0x1: {  	(tag) =	ssettag $0x0;
	lr =	simm.s32 $0x1  }
0x2: {  	[smem:$0x3F9D] =	sst lr;
	_ =	strace $0xD0000000  }
0x3: {  	_ = 	snop  }
0x4: {  	_ = 	snop  }
0x5: {  	_ = 	snop  }
0x6: {  	_ = 	snop  }
0x7: {  	_ = 	snop  }
__scs_overlays_trampoline_lowered:
0x8: {  	[smem:$0x3FAC] =	sst s0  }
0x9: {  	[smem:$0x3FAD] =	sst s1  }
0xa: {  	[smem:$0x3FAE] =	sst s2  }
0xb: {  	[smem:$0x3FAF] =	sst s3  }
0xc: {  	[smem:$0x3FB0] =	sst s4  }
0xd: {  	[smem:$0x3FB1] =	sst s5  }
0xe: {  	[smem:$0x3FB2] =	sst s6  }
0xf: {  	[smem:$0x3FB3] =	sst s7  }
0x10: {  	[smem:$0x3FB4] =	sst s8  }
0x11: {  	[smem:$0x3FB5] =	sst s9;
	s0 =	simm.s32 @!p0 $0x0  }
0x12: {  	s1 =	sld [smem:$0x3F9B];
	s0 =	simm.s32 @p0 $0x1  }
0x13: {  	[smem:$0x3FB6] =	sst s0;
	s0 =	simm.s32 @!p1 $0x0  }
0x14: {  	s2 =	sld [smem:$0x3F9A];
	s0 =	simm.s32 @p1 $0x1  }
0x15: {  	[smem:$0x3FB7] =	sst s0;
	s0 =	simm.s32 @!p2 $0x0  }
0x16: {  	s3 =	sld [smem:$0x3FDB];
	s0 =	simm.s32 @p2 $0x1  }
0x17: {  	s4 =	simm.s32 $0x1BF5;
	[smem:$0x3FB9] =	sst s0  }
0x18: {  	s0 =	sld [smem:$0x3F9C];
	_ =	swait.ge [sflag:s4], $0x0  }
0x19: {  	s7 =	sld [smem:$0x3F9D]  }
0x1a: {  	s8 =	sadd.s32 $0xFFFFE003, lr  }
0x1b: {  	s9 =	sadd.s32 $0xFFFFFEF7, lr;
	s5 =	simm.s32 $0xFFFFFFFF;
	p2 =	slt.u32 s8, $0xFFFFF086  }
0x1c: {  	p1 =	slt.u32 s9, $0xF7A;
	s5 =	simm.s32 @!p2 $0x0  }
0x1d: {  	s5 =	simm.s32 @p1 $0x1;
	p0 =	seq.s32 s7, s2  }
0x1e: {  	s7 =	smul.u32 @!p0 $0xF7A, s2;
	p2 =	seq.s32 @!p0 s5, $0x0  }
0x1f: {  	s9 =	smul.u32 $0xF7A, s1;
	s8 =	simm.s32 @!p0 $0x1BF5;
	p2 =	por !p2, p0  }
0x20: {  	[sflag:s8] =	ssyncset.s32 @!p0 $0xFFFFF086;
	s6 =	sadd.s32 @!p0 s3, s7;
	s7 =	simm.s32 @!p0 $0x108  }
0x21: {  	s3 =	sadd.s32 s3, s9;
	s6 =	sadd.s32 @!p0 $0x88, s6;
	s7 =	simm.s32 @p2 $0x1082  }
0x22: {  	[simem:s7], [sflag:s8] =	dma.local @!p0 [hbm:s6], $0xF7A  }
0x23: {  	s9 =	sor.u32 $0xD0000000, s2;
	s6 =	simm.s32 $0x108;
	_ =	swait.ge @!p0 [sflag:s8], $0x0  }
0x24: {  	s3 =	sadd.s32 $0x88, s3;
	s6 =	simm.s32 @!p1 $0x1082;
	[sflag:s4] =	ssyncset.s32 $0xFFFFF086  }
0x25: {  	[simem:s6], [sflag:s4] =	dma.local [hbm:s3], $0xF7A  }
0x26: {  	[smem:$0x3F9D] =	sst s1;
	(tag) =	ssettag s2;
	_ =	strace s9  }
0x27: {  	s1 =	sld [smem:$0x3FAD]  }
0x28: {  	s2 =	sld [smem:$0x3FAE]  }
0x29: {  	s4 =	sld [smem:$0x3FB0]  }
0x2a: {  	p0 =	seq.s32 s5, $0x0;
	s5 =	sld [smem:$0x3FB1]  }
0x2b: {  	s6 =	sld [smem:$0x3FB2]  }
0x2c: {  	s7 =	sld [smem:$0x3FB3]  }
0x2d: {  	s3 =	simm.s32 $0x108;
	s8 =	sld [smem:$0x3FB4]  }
0x2e: {  	s3 =	simm.s32 @!p0 $0x1082;
	s9 =	sld [smem:$0x3FB5]  }
0x2f: {  	lr =	sadd.s32 s0, s3;
	s0 =	sld [smem:$0x3FAC]  }
0x30: {  	s3 =	sld [smem:$0x3FAF]  }
0x31: {  	[smem:$0x3FB8] =	sst s10  }
0x32: {  	s10 =	sld [smem:$0x3FB6];
	_ =	sdelay $0x3  }
0x33: {  	p0 =	seq.s32 s10, $0x1;
	s10 =	sld [smem:$0x3FB8];
	_ =	sdelay $0x3  }
0x34: {  	[smem:$0x3FB8] =	sst s10  }
0x35: {  	s10 =	sld [smem:$0x3FB7];
	_ =	sdelay $0x3  }
0x36: {  	p1 =	seq.s32 s10, $0x1;
	s10 =	sld [smem:$0x3FB8];
	_ =	sdelay $0x3  }
0x37: {  	[smem:$0x3FB8] =	sst s10  }
0x38: {  	s10 =	sld [smem:$0x3FB9]  }
0x39: {  	_ = 	snop;
	(pc) =	sbr.ind lr, $3  }
0x3a: {  	_ = 	snop  }
0x3b: {  	_ = 	snop  }
0x3c: {  	p2 =	seq.s32 s10, $0x1;
	s10 =	sld [smem:$0x3FB8]  }
0x3d: {  	_ =	shalt  }
0x3e: {  	_ =	shalt  }
0x3f: {  	_ =	shalt  }
0x40: {  	_ =	shalt  }
0x41: {  	_ =	shalt  }
0x42: {  	_ =	shalt  }
0x43: {  	_ =	shalt  }
0x44: {  	_ =	shalt  }
0x45: {  	_ =	shalt  }
0x46: {  	_ =	shalt  }
0x47: {  	_ =	shalt  }
0x48: {  	_ =	shalt  }
0x49: {  	_ =	shalt  }
0x4a: {  	_ =	shalt  }
0x4b: {  	_ =	shalt  }
0x4c: {  	_ =	shalt  }
0x4d: {  	_ =	shalt  }
0x4e: {  	_ =	shalt  }
0x4f: {  	_ =	shalt  }
0x50: {  	_ =	shalt  }
0x51: {  	_ =	shalt  }
0x52: {  	_ =	shalt  }
0x53: {  	_ =	shalt  }
0x54: {  	_ =	shalt  }
0x55: {  	_ =	shalt  }
0x56: {  	_ =	shalt  }
0x57: {  	_ =	shalt  }
0x58: {  	_ =	shalt  }
0x59: {  	_ =	shalt  }
0x5a: {  	_ =	shalt  }
0x5b: {  	_ =	shalt  }
0x5c: {  	_ =	shalt  }
0x5d: {  	_ =	shalt  }
0x5e: {  	_ =	shalt  }
0x5f: {  	_ =	shalt  }
0x60: {  	_ =	shalt  }
0x61: {  	_ =	shalt  }
0x62: {  	_ =	shalt  }
0x63: {  	_ =	shalt  }
0x64: {  	_ =	shalt  }
0x65: {  	_ =	shalt  }
0x66: {  	_ =	shalt  }
0x67: {  	_ =	shalt  }
0x68: {  	_ =	shalt  }
0x69: {  	_ =	shalt  }
0x6a: {  	_ =	shalt  }
0x6b: {  	_ =	shalt  }
0x6c: {  	_ =	shalt  }
0x6d: {  	_ =	shalt  }
0x6e: {  	_ =	shalt  }
0x6f: {  	_ =	shalt  }
0x70: {  	_ =	shalt  }
0x71: {  	_ =	shalt  }
0x72: {  	_ =	shalt  }
0x73: {  	_ =	shalt  }
0x74: {  	_ =	shalt  }
0x75: {  	_ =	shalt  }
0x76: {  	_ =	shalt  }
0x77: {  	_ =	shalt  }
0x78: {  	_ =	shalt  }
0x79: {  	_ =	shalt  }
0x7a: {  	_ =	shalt  }
0x7b: {  	_ =	shalt  }
0x7c: {  	_ =	shalt  }
0x7d: {  	_ =	shalt  }
0x7e: {  	_ =	shalt  }
0x7f: {  	_ =	shalt  }
0x80: {  	_ =	shalt  }
0x81: {  	_ =	shalt  }
0x82: {  	_ =	shalt  }
0x83: {  	_ =	shalt  }
0x84: {  	_ =	shalt  }
0x85: {  	_ =	shalt  }
0x86: {  	_ =	shalt  }
0x87: {  	_ =	shalt  }
.Lfunc_end0:
.L_simem_size_0:
called_computation_lowered:
.L_overlay_start_0:
0x88: {  	s2 =	sld [smem:$0x3FD9]  }
0x89: {  	s3 =	sld [smem:$0x3FFE];
	_ =	sdelay $0x1  }
0x8a: {  	s1 =	srdreg.scid  }
0x8b: {  	s0 =	sand.u32 $0x1, s1  }
0x8c: {  	s17 =	sshll.u32 s0, $0xA;
	s2 =	sadd.s32 s3, s2  }
0x8d: {  	s2 =	sadd.s32 s2, s17  }
0x8e: {  	[smem:$0x3FC4] =	sst s2  }
0x8f: {  	_ = 	snop  }
0x90: {  	s2 =	sld [smem:$0x3FC9]  }
0x91: {  	s18 =	sld [smem:$0x3FC8]  }
0x92: {  	s4 =	sld [smem:$0x3FD0];
	(tm) =	ssettm $0x1  }
0x93: {  	s5 =	sld [smem:$0x3FFB];
	_ =	sdelay $0x3  }
0x94: {  	_ =	strace s5  }
0x95: {  	s5 =	sld [smem:$0x3FFC];
	_ =	sdelay $0x3  }
0x96: {  	_ =	strace s5  }
0x97: {  	s5 =	sld [smem:$0x3FFD];
	_ =	sdelay $0x3  }
0x98: {  	_ =	strace s5  }
0x99: {  	_ =	strace $0x8FFFFFFF  }
0x9a: {  	s19 =	sld [smem:$0x3FDB];
	_ =	sdelay $0x1  }
0x9b: {  	s6 =	simm.s32 $_scs_section_size  }
0x9c: {  	s7 =	simm.s32 $_size__tile_overlayer_lowered;
	s8 =	simm.s32 $_tile_overlayer_lowered  }
0x9d: {  	s22 =	simm.s32 $0x1BFF;
	s21 =	sshll.u32 s8, $0x1;
	s5 =	sadd.s32 s6, s19  }
0x9e: {  	s9 =	simm.s32 $0x0;
	s20 =	sshll.u32 s7, $0x1;
	s7 =	sadd.s32 s21, s5  }
0x9f: {  	[timem:s9], [sflag:s22] =	dma.local [hbm:s7], s20  }
0xa0: {  	_ =	swait.ge [sflag:s22], s20  }
0xa1: {  	s6 =	ssub.s32 $0x0, s20;
	[sflag:s22] =	ssyncset.done $0x0  }
0xa2: {  	[sflag:s22] =	ssyncadd.s32 s6;
	_ =	sdelay $0x1  }
0xa3: {  	s23 =	simm.s32 $0x1B8B  }
0xa4: {  	_ =	swait.ge [sflag:s23], $0x1  }
0xa5: {  	[sflag:s23] =	ssyncset.done $0x0  }
0xa6: {  	s25 =	simm.s32 $0x1B8E;
	s24 =	sld [smem:$0x3FFE];
	[sflag:s23] =	ssyncadd.s32 $0xFFFFFFFF  }
0xa7: {  	s26 =	simm.s32 $execute0_lowered;
	[smem:$0x3FD2] =	sst s25  }
0xa8: {  	s7 =	sshll.u32 s26, $0x1;
	_ =	strace $0x80000046;
	[dreg:$0x1] =	wrdreg $0xFFFFFFFF  }
0xa9: {  	s28 =	simm.s32 $_size_execute0_lowered;
	s5 =	sadd.s32 s5, s7;
	[dreg:$0x0] =	wrdreg $0x0  }
0xaa: {  	s7 =	sshll.u32 s28, $0x1;
	[dreg:$0x2] =	wrdreg s5  }
0xab: {  	[dreg:$0x3] =	wrdreg s7  }
0xac: {  	[dreg:$0x4] =	wrdreg $0xC0  }
0xad: {  	_ =	task [dreg:s9], $0x5FFFF  }
0xae: {  	[dreg:$0x1] =	wrdreg $0xFFFFFFFF  }
0xaf: {  	[dreg:$0x0] =	wrdreg $0x60  }
0xb0: {  	[dreg:$0x2] =	wrdreg s2  }
0xb1: {  	[dreg:$0x3] =	wrdreg s18  }
0xb2: {  	[dreg:$0x4] =	wrdreg s24  }
0xb3: {  	[dreg:$0x5] =	wrdreg s4  }
0xb4: {  	[dreg:$0x6] =	wrdreg $0x82000  }
0xb5: {  	[dreg:$0x7] =	wrdreg $0x9  }
0xb6: {  	_ =	task.clear_ibuf [dreg:s9], $0x8FFFF;
	_ =	strace $0x90000046  }
0xb7: {  	s29 =	simm.s32 $0x9;
	_ =	strace $0x80000048  }
0xb8: {  	_ =	swait.ge [sflag:s29], $0x1  }
0xb9: {  	[sflag:s29] =	ssyncadd.s32 $0xFFFFFFFF  }
0xba: {  	_ =	strace $0x90000048  }
0xbb: {  	_ =	sfence  }
0xbc: {  	s30 =	sld [smem:$0x0];
	_ =	sdelay $0x2  }
0xbd: {  	s31 =	sshll.u32 s1, $0xD;
	s1 =	sshrl.u32 s1, $0x2  }
0xbe: {  	s3 =	sand.u32 $0x4000, s31;
	s1 =	sadd.s32 s1, s30  }
0xbf: {  	s0 =	sor.u32 s3, s0;
	s1 =	sshll.u32 s1, $0x11  }
0xc0: {  	s0 =	sor.u32 s1, s0  }
0xc1: {  	s0 =	sadd.s32 $0x8F2B, s0  }
0xc2: {  	[sflag:s0] =	ssyncadd.remote.s32 $0x1  }
0xc3: {  	_ =	sfence.sel $0xFFFF  }
0xc4: {  	[dreg:$0x0] =	wrdreg $0xFFFFFFFF;
	(pc) =	sbr.abs _section_cstart, $3  }
0xc5: {  	[dreg:$0x1] =	wrdreg $0xFFFFFFFF  }
0xc6: {  	_ =	task.clear_ibuf [dreg:s9], $0x2FFFF;
	_ =	strace $0x9FFFFFFF  }
0xc7: {  	(tm) =	ssettm $0x7FFFFFFF  }
tec
execute0_lowered:
.L_overlay_start_1:
0x0: {  	(tag) =	ssettag $0x1  }
0x1: {  	s1 =	rddreg [dreg:$0x0]  }
0x2: {  	s0 =	rddreg [dreg:$0x1]  }
0x3: {  	s7 =	rddreg [dreg:$0x2]  }
0x4: {  	s3 =	rddreg [dreg:$0x4]  }
0x5: {  	s4 =	srdreg.scid;
	s5 =	simm.s32 $0x0;
	s2 =	stileid.u32  }
0x6: {  	s16 =	simm.s32 $0x4;
	s17 =	simm.s32 $0x80;
	s18 =	simm.s32 $0x1  }
0x7: {  	s19 =	simm.s32 $0x200;
	s31 =	simm.s32 $0x100;
	s20 =	simm.s32 $0x2  }
0x8: {  	s21 =	simm.s32 $0x180;
	s22 =	simm.s32 $0x4200;
	s9 =	smul.u32 $0x14000, s2  }
0x9: {  	s23 =	simm.s32 $0x3;
	s24 =	simm.s32 $0x0;
	s11 =	smul.u32 $0x4F, s2  }
0xa: {  	s8 =	sand.u32 $0x1, s4;
	[smem:$0x7FF] =	sst s5;
	s26 =	smul.u32 $0x50000, s2  }
0xb: {  	s29 =	sshll.u32 s2, $0x6;
	s6 =	smul.u32 $0x140000, s8;
	_ =	strace $0x80000047  }
0xc: {  	s10 =	ssub.s32 $0x2, s8;
	p0 =	seq.s32 s8, $0x0;
	[dreg:$0x6] =	wrdreg s31  }
0xd: {  	s12 =	sshrl.u32 s10, $0x1;
	s13 =	sadd.s32 $0x4F0, s11;
	s28 =	sshrl.u32 s26, $0x2  }
0xe: {  	s9 =	sadd.s32 s9, s6;
	s6 =	sadd.s32 $0xA00, s7;
	s12 =	ssub.s32 s10, s12  }
0xf: {  	s13 =	smov.u32 @p0 s11;
	s15 =	sadd.s32 s28, s3;
	s9 =	sshrl.u32 s9, $0x3  }
0x10: {  	s30 =	sshll.u32 s13, $0x5;
	s10 =	sadd.s32 $0x2, s13;
	s12 =	smax.u32 s12, $0x1  }
0x11: {  	s13 =	sshll.u32 s13, $0x8;
	s15 =	sshrl.u32 s15, $0x3;
	s8 =	sadd.s32 s0, s30  }
0x12: {  	s14 =	sadd.s32 s9, s7;
	s7 =	sor.u32 $0x1C04, s29;
	s0 =	sadd.s32 $0x10, s8  }
0x13: {  	s11 =	sadd.s32 $0xE00, s14;
	s14 =	sadd.s32 $0x50, s8;
	[dreg:$0x7] =	wrdreg s0  }
.LBB2_1:
0x14: {  	s0 =	rddreg [dreg:$0x3]  }
0x15: {  	[spmem:s15], [sflag:s7] =	dma.local [hbm:s0], $0x2800  }
0x16: {  	_ =	swait.ge [sflag:s16], $0x2800  }
0x17: {  	[sflag:s16] =	ssyncset.done $0x0  }
0x18: {  	[sflag:s16] =	ssyncadd.s32 $0xFFFFD800  }
0x19: {  	[bflag:$0x0] =	sbarrier.arrive $0xFFFF  }
0x1a: {  	[tilespmem:s5], [sflag:$0x1] =	stream.linear.gather [hbm4b:s8+s5], $0x80, $0x38;
	[tilespmem:$0x1C200] =	vst v63  }
0x1b: {  	s9 =	rddreg [dreg:$0x7]  }
0x1c: {  	[tilespmem:s17], [sflag:$0x1] =	stream.linear.gather [hbm4b:s9+s5], $0x80, $0x38;
	[tilespmem:$0x1C200] =	vst v63  }
0x1d: {  	_ =	swait.ge [sflag:s18], $0x80  }
0x1e: {  	[sflag:s18] =	ssyncset.done $0x0  }
0x1f: {  	[sflag:s18] =	ssyncadd.s32 $0xFFFFFF80  }
0x20: {  	_ =	swait.ge [sflag:s18], $0x80  }
0x21: {  	[sflag:s18] =	ssyncset.done $0x0  }
0x22: {  	s25 =	sadd.s32 $0xFFFFFFFF, s10;
	p1 =	por $0x1, $0x1;
	[sflag:s18] =	ssyncadd.s32 $0xFFFFFF80  }
0x23: {  	[tilespmem:s19], [sflag:$0x2] =	stream.indirect.gather [hbm4b:s1+s17], $0x80, s5, s17, $0xb8;
	[tilespmem:$0x1C200] =	vst v63  }
0x24: {  	p0 =	sgt.u32 s25, $0x9C3;
	s28 =	simm.s32 @!p1 $0x3;
	_ =	swait.ge [sflag:s20], $0x4000  }
0x25: {  	s0 =	simm.s32 @p0 $0x100;
	s26 =	sadd.s32 @p0 $0x0, s13;
	[sflag:s20] =	ssyncset.done $0x0  }
0x26: {  	s25 =	sadd.s32 @!p0 $0xFFFFFFE0, s14;
	s29 =	sadd.s32 @p0 $0xFFF63D00, s26;
	[sflag:s20] =	ssyncadd.s32 $0xFFFFC000  }
0x27: {  	[spmem:s3] =	stream.indirect.scatter.add.f32 [tilespmem:s19], [sflag:$0x3], $0x80, s17, s17, $0xb8;
	[tilespmem:$0x1C200] =	vst v63  }
0x28: {  	s26 =	sadd.s32 @p0 $0xFFF63D80, s26;
	s29 =	sshrl.u32 @p0 s29, $0x3;
	_ =	swait.ge @!p1 [sflag:s28], $0x4000  }
0x29: {  	s26 =	sshrl.u32 @p0 s26, $0x3;
	s29 =	sadd.s32 @p0 s6, s29;
	[sflag:s28] =	ssyncset.done @!p1 $0x0  }
0x2a: {  	s26 =	sadd.s32 @p0 s6, s26;
	[sflag:s28] =	ssyncadd.s32 @!p1 $0xFFFFC000;
	s28 =	simm.s32 @p0 $0x0  }
0x2b: {  	[tilespmem:s0], [sflag:$0x1] =	stream.linear.gather @p0 [hbm4b:s29+s28], $0x80, $0x38;
	[tilespmem:$0x1C200] =	vst v63  }
0x2c: {  	s0 =	sadd.s32 @!p0 $0xFFFFFFD0, s14;
	s28 =	simm.s32 @!p0 $0x0;
	s29 =	simm.s32 @!p0 $0x100  }
0x2d: {  	[tilespmem:s29], [sflag:$0x1] =	stream.linear.gather @!p0 [hbm4b:s0+s28], $0x80, $0x38;
	[tilespmem:$0x1C200] =	vst v63  }
0x2e: {  	s25 =	smov.u32 @p0 s26  }
0x2f: {  	[tilespmem:s21], [sflag:$0x1] =	stream.linear.gather [hbm4b:s25+s5], $0x80, $0x38;
	[tilespmem:$0x1C200] =	vst v63  }
0x30: {  	_ =	swait.ge [sflag:s18], $0x80  }
0x31: {  	[sflag:s18] =	ssyncset.done $0x0  }
0x32: {  	[sflag:s18] =	ssyncadd.s32 $0xFFFFFF80  }
0x33: {  	_ =	swait.ge [sflag:s18], $0x80  }
0x34: {  	[sflag:s18] =	ssyncset.done $0x0  }
0x35: {  	s26 =	rddreg [dreg:$0x6];
	[sflag:s18] =	ssyncadd.s32 $0xFFFFFF80  }
0x36: {  	[tilespmem:s22], [sflag:$0x2] =	stream.indirect.gather [hbm4b:s1+s17], $0x80, s26, s17, $0xb8;
	[tilespmem:$0x1C200] =	vst v63  }
0x37: {  	p1 =	sgt.u32 s10, $0x9C3;
	_ =	swait.ge [sflag:s20], $0x4000  }
0x38: {  	s31 =	simm.s32 @p1 $0x0;
	s0 =	sadd.s32 @p1 $0x0, s13;
	[sflag:s20] =	ssyncset.done $0x0  }
0x39: {  	s29 =	smov.u32 s14;
	s28 =	sadd.s32 @p1 $0xFFF63E00, s0;
	[sflag:s20] =	ssyncadd.s32 $0xFFFFC000  }
0x3a: {  	[spmem:s3] =	stream.indirect.scatter.add.f32 [tilespmem:s22], [sflag:$0x3], $0x80, s21, s17, $0xb8;
	[tilespmem:$0x1C200] =	vst v63  }
0x3b: {  	s0 =	sadd.s32 @p1 $0xFFF63E80, s0;
	s25 =	simm.s32 $0x200;
	_ =	swait.ge [sflag:s23], $0x4000  }
0x3c: {  	s30 =	sshrl.u32 @p1 s28, $0x3;
	s0 =	sshrl.u32 @p1 s0, $0x3;
	[sflag:s23] =	ssyncset.done $0x0  }
0x3d: {  	s28 =	smov.u32 s14;
	s26 =	sadd.s32 $0x2, s10;
	[sflag:s23] =	ssyncadd.s32 $0xFFFFC000  }
.LBB2_2:
0x3e: {  	s4 =	sadd.s32 @p1 s6, s30  }
0x3f: {  	[tilespmem:s31], [sflag:$0x1] =	stream.linear.gather @p1 [hbm4b:s4+s31], $0x80, $0x38;
	[tilespmem:$0x1C200] =	vst v63  }
0x40: {  	s4 =	sadd.s32 @!p1 $0xFFFFFFF0, s28;
	s31 =	simm.s32 @!p1 $0x0  }
0x41: {  	[tilespmem:s31], [sflag:$0x1] =	stream.linear.gather @!p1 [hbm4b:s4+s31], $0x80, $0x38;
	[tilespmem:$0x1C200] =	vst v63  }
0x42: {  	s0 =	sadd.s32 @p1 s6, s0;
	s4 =	smov.u32 s28  }
0x43: {  	s4 =	smov.u32 @p1 s0  }
0x44: {  	[tilespmem:s17], [sflag:$0x1] =	stream.linear.gather [hbm4b:s4+s5], $0x80, $0x38;
	[tilespmem:$0x1C200] =	vst v63  }
0x45: {  	_ =	swait.ge [sflag:s18], $0x80  }
0x46: {  	[sflag:s18] =	ssyncset.done $0x0  }
0x47: {  	[sflag:s18] =	ssyncadd.s32 $0xFFFFFF80  }
0x48: {  	s29 =	sadd.s32 $0x40, s29;
	_ =	swait.ge [sflag:s18], $0x80  }
0x49: {  	s30 =	smov.u32 s25;
	s4 =	sadd.s32 $0xFFFFFFFF, s26;
	[sflag:s18] =	ssyncset.done $0x0  }
0x4a: {  	p2 =	seq.s32 s30, $0x0;
	p1 =	sgt.u32 s4, $0x9C3;
	[sflag:s18] =	ssyncadd.s32 $0xFFFFFF80  }
0x4b: {  	[tilespmem:s19], [sflag:$0x2] =	stream.indirect.gather [hbm4b:s1+s17], $0x80, s5, s17, $0xb8;
	[tilespmem:$0x1C200] =	vst v63  }
0x4c: {  	s31 =	simm.s32 @!p2 $0x3;
	s0 =	simm.s32 @p1 $0x100;
	_ =	swait.ge [sflag:s20], $0x4000  }
0x4d: {  	s4 =	sadd.s32 @!p1 $0xFFFFFFE0, s29;
	s2 =	sadd.s32 @p1 s30, s13;
	[sflag:s20] =	ssyncset.done $0x0  }
0x4e: {  	s9 =	sadd.s32 @p1 $0xFFF63D00, s2;
	s2 =	sadd.s32 @p1 $0xFFF63D80, s2;
	[sflag:s20] =	ssyncadd.s32 $0xFFFFC000  }
0x4f: {  	[spmem:s3] =	stream.indirect.scatter.add.f32 [tilespmem:s19], [sflag:$0x3], $0x80, s17, s17, $0xb8;
	[tilespmem:$0x1C200] =	vst v63  }
0x50: {  	s9 =	sshrl.u32 @p1 s9, $0x3;
	s2 =	sshrl.u32 @p1 s2, $0x3;
	_ =	swait.ge @!p2 [sflag:s31], $0x4000  }
0x51: {  	s9 =	sadd.s32 @p1 s6, s9;
	s2 =	sadd.s32 @p1 s6, s2;
	[sflag:s31] =	ssyncset.done @!p2 $0x0  }
0x52: {  	s4 =	smov.u32 @p1 s2;
	[sflag:s31] =	ssyncadd.s32 @!p2 $0xFFFFC000;
	s31 =	simm.s32 @p1 $0x0  }
0x53: {  	[tilespmem:s0], [sflag:$0x1] =	stream.linear.gather @p1 [hbm4b:s9+s31], $0x80, $0x38;
	[tilespmem:$0x1C200] =	vst v63  }
0x54: {  	s2 =	simm.s32 @!p1 $0x0;
	s0 =	sadd.s32 @!p1 $0xFFFFFFD0, s29;
	s9 =	simm.s32 @!p1 $0x100  }
0x55: {  	[tilespmem:s9], [sflag:$0x1] =	stream.linear.gather @!p1 [hbm4b:s0+s2], $0x80, $0x38;
	[tilespmem:$0x1C200] =	vst v63  }
0x56: {  	_ = 	snop  }
0x57: {  	[tilespmem:s21], [sflag:$0x1] =	stream.linear.gather [hbm4b:s4+s5], $0x80, $0x38;
	[tilespmem:$0x1C200] =	vst v63  }
0x58: {  	_ =	swait.ge [sflag:s18], $0x80  }
0x59: {  	[sflag:s18] =	ssyncset.done $0x0  }
0x5a: {  	[sflag:s18] =	ssyncadd.s32 $0xFFFFFF80  }
0x5b: {  	_ =	swait.ge [sflag:s18], $0x80  }
0x5c: {  	[sflag:s18] =	ssyncset.done $0x0  }
0x5d: {  	s25 =	sadd.s32 $0x200, s25;
	s9 =	rddreg [dreg:$0x6];
	[sflag:s18] =	ssyncadd.s32 $0xFFFFFF80  }
0x5e: {  	[tilespmem:s22], [sflag:$0x2] =	stream.indirect.gather [hbm4b:s1+s17], $0x80, s9, s17, $0xb8;
	[tilespmem:$0x1C200] =	vst v63  }
0x5f: {  	p0 =	sne.s32 s25, $0x4E00;
	_ =	swait.ge [sflag:s20], $0x4000  }
0x60: {  	s28 =	smov.u32 s29;
	p1 =	sgt.u32 s26, $0x9C3;
	[sflag:s20] =	ssyncset.done $0x0  }
.Ltmp0:
0x61: {  	s26 =	sadd.s32 $0x2, s26;
	[sflag:s20] =	ssyncadd.s32 $0xFFFFC000;
	(pc) =	sbr.rel @p0 .LBB2_2-.Ltmp0, $4  }
0x62: {  	[spmem:s3] =	stream.indirect.scatter.add.f32 [tilespmem:s22], [sflag:$0x3], $0x80, s21, s17, $0xb8;
	[tilespmem:$0x1C200] =	vst v63  }
0x63: {  	s0 =	sadd.s32 @p1 s30, s13;
	s31 =	simm.s32 @p1 $0x0;
	_ =	swait.ge [sflag:s23], $0x4000  }
0x64: {  	s2 =	sadd.s32 @p1 $0xFFF63E00, s0;
	s0 =	sadd.s32 @p1 $0xFFF63E80, s0;
	[sflag:s23] =	ssyncset.done $0x0  }
0x65: {  	s30 =	sshrl.u32 @p1 s2, $0x3;
	s0 =	sshrl.u32 @p1 s0, $0x3;
	[sflag:s23] =	ssyncadd.s32 $0xFFFFC000  }
0x66: {  	s2 =	sadd.s32 @p1 s6, s30  }
0x67: {  	[tilespmem:s31], [sflag:$0x1] =	stream.linear.gather @p1 [hbm4b:s2+s31], $0x80, $0x38;
	[tilespmem:$0x1C200] =	vst v63  }
0x68: {  	s0 =	sadd.s32 @p1 s6, s0;
	s4 =	simm.s32 @!p1 $0x0;
	s2 =	sadd.s32 @!p1 $0xFFFFFFF0, s28  }
0x69: {  	[tilespmem:s4], [sflag:$0x1] =	stream.linear.gather @!p1 [hbm4b:s2+s4], $0x80, $0x38;
	[tilespmem:$0x1C200] =	vst v63  }
0x6a: {  	s28 =	smov.u32 @p1 s0  }
0x6b: {  	[tilespmem:s17], [sflag:$0x1] =	stream.linear.gather [hbm4b:s28+s5], $0x80, $0x38;
	[tilespmem:$0x1C200] =	vst v63  }
0x6c: {  	_ =	swait.ge [sflag:s18], $0x80  }
0x6d: {  	[sflag:s18] =	ssyncset.done $0x0  }
0x6e: {  	[sflag:s18] =	ssyncadd.s32 $0xFFFFFF80  }
0x6f: {  	_ =	swait.ge [sflag:s18], $0x80  }
0x70: {  	[sflag:s18] =	ssyncset.done $0x0  }
0x71: {  	[sflag:s18] =	ssyncadd.s32 $0xFFFFFF80  }
0x72: {  	[tilespmem:s19], [sflag:$0x2] =	stream.indirect.gather [hbm4b:s1+s17], $0x80, s5, s17, $0xb8;
	[tilespmem:$0x1C200] =	vst v63  }
0x73: {  	_ =	swait.ge [sflag:s20], $0x4000  }
0x74: {  	[sflag:s20] =	ssyncset.done $0x0  }
0x75: {  	[sflag:s20] =	ssyncadd.s32 $0xFFFFC000  }
0x76: {  	[spmem:s3] =	stream.indirect.scatter.add.f32 [tilespmem:s19], [sflag:$0x3], $0x80, s17, s17, $0xb8;
	[tilespmem:$0x1C200] =	vst v63  }
0x77: {  	_ =	swait.ge [sflag:s23], $0x4000  }
0x78: {  	[sflag:s23] =	ssyncset.done $0x0  }
0x79: {  	[sflag:s23] =	ssyncadd.s32 $0xFFFFC000  }
0x7a: {  	_ =	swait.ge [sflag:s23], $0x4000  }
0x7b: {  	s24 =	sadd.s32 $0x1, s24;
	[sflag:s23] =	ssyncset.done $0x0  }
0x7c: {  	p0 =	sne.s32 s24, s12;
	[sflag:s23] =	ssyncadd.s32 $0xFFFFC000  }
.Ltmp1:
0x7d: {  	[bflag:$0x0] =	sbarrier.arrive $0xFFFF;
	(pc) =	sbr.rel @p0 .LBB2_1-.Ltmp1, $4  }
0x7e: {  	[hbm:s11], [sflag:s7] =	dma.local [spmem:s15], $0x2800  }
0x7f: {  	_ =	swait.ge [sflag:s16], $0x2800  }
0x80: {  	[sflag:s16] =	ssyncset.done $0x0  }
0x81: {  	[sflag:s16] =	ssyncadd.s32 $0xFFFFD800  }
0x82: {  	_ =	sfence.sel $0x180000  }
0x83: {  	[bflag:$0x0] =	sbarrier.arrive $0xFFFF  }
0x84: {  	_ =	strace $0x90000047  }
0x85: {  	s0 =	stileid.u32;
	[bflag:$0x2] =	sbarrier.arrive $0xFFFF  }
0x86: {  	p0 =	sne.s32 s0, $0x0;
	s0 =	rddreg [dreg:$0x5]  }
0x87: {  	s0 =	sadd.s32 @!p0 $0x100000, s0  }
0x88: {  	[sflag:s0] =	ssyncadd.tile.s32 @!p0 $0x1;
	_ =	shalt  }
.Lfunc_end2:
_tile_overlayer_lowered:
.L_overlay_start_2:
0x89: {  	(tag) =	ssettag $0x2  }
0x8a: {  	s0 =	rddreg [dreg:$0x0];
	s2 =	stileid.u32  }
0x8b: {  	s1 =	rddreg [dreg:$0x1];
	p0 =	sne.s32 s2, $0x0  }
0x8c: {  	s3 =	rddreg [dreg:$0x2];
	[bflag:$0x3] =	sbarrier.arrive $0xFFFF;
	s2 =	simm.s32 @!p0 $0x1C04  }
0x8d: {  	[timem:s3], [sflag:s2] =	dma.local @!p0 [hbm:s0], s1  }
0x8e: {  	s0 =	simm.s32 @!p0 $0x4  }
0x8f: {  	_ =	swait.ge @!p0 [sflag:s0], s1  }
0x90: {  	s1 =	ssub.s32 @!p0 $0x0, s1;
	[sflag:s0] =	ssyncset.done @!p0 $0x0  }
0x91: {  	[sflag:s0] =	ssyncadd.s32 @!p0 s1  }
0x92: {  	[bflag:$0x3] =	sbarrier.arrive $0xFFFF  }
0x93: {  	_ =	shalt  }

</sc_bundles>
